<compile_context>
chip_gen: v7x
topology: tpu7x:2x2x1
jax: 0.10.2.dev20260603
libtpu: 0.0.44.dev20260713+nightly
codegen_flags: <defaults>
</compile_context>

<pallas_src>
import jax
import jax.numpy as jnp
from jax import lax
from jax.experimental import pallas as pl
from jax.experimental.pallas import tpu as pltpu
from jax.experimental.pallas import tpu_sc as plsc

N_IN = 10000
D = 256
E = 513
E_PAD = 520
T_ROWS = 1024
N_OUT = N_IN + E
NC, NS = 2, 16
NW = NC * NS
EPW = 16
EPC = 24
LANES = 16
CP_ROWS = 1000
CP_N = N_IN // CP_ROWS


def _tail_kernel(x_hbm, i0_hbm, i1_hbm, t_hbm,
                 idx0_v, idx1_v, buf0, buf1, sem0, sem1):
    c = lax.axis_index("c")
    s = lax.axis_index("s")
    wid = s * NC + c
    ebase = wid * EPW
    pltpu.sync_copy(i0_hbm.at[pl.ds(ebase, EPC)], idx0_v)
    pltpu.sync_copy(i1_hbm.at[pl.ds(ebase, EPC)], idx1_v)
    hg0 = pltpu.async_copy(x_hbm.at[idx0_v], buf0, sem0)
    hg1 = pltpu.async_copy(x_hbm.at[idx1_v], buf1, sem1)
    hg0.wait()
    hg1.wait()

    def body(e, carry):
        for j in range(D // LANES):
            sl = pl.ds(j * LANES, LANES)
            buf0[e, sl] = (buf0[e, sl] + buf1[e, sl]) * 0.5
        return carry

    lax.fori_loop(0, EPC, body, 0)

    pltpu.sync_copy(buf0, t_hbm.at[pl.ds(ebase, EPC)])


def _copy_body(x_hbm, o_hbm, bufs, rsems, wsems):
    hin = [pltpu.make_async_copy(x_hbm.at[pl.ds(c * CP_ROWS, CP_ROWS)],
                                 bufs[c], rsems[c])
           for c in range(CP_N)]
    for h in hin:
        h.start()
    hout = []
    for c in range(CP_N):
        hin[c].wait()
        h = pltpu.make_async_copy(bufs[c],
                                  o_hbm.at[pl.ds(c * CP_ROWS, CP_ROWS)],
                                  wsems[c])
        h.start()
        hout.append(h)
    for h in hout:
        h.wait()


def _insert_body(o0_ref, t_ref, o_ref):
    o_ref[...] = t_ref[...]


@jax.jit
def _run(x, idx0, idx1):
    mesh = plsc.VectorSubcoreMesh(core_axis_name="c", subcore_axis_name="s",
                                  num_cores=NC, num_subcores=NS)
    t = pl.kernel(
        _tail_kernel,
        out_type=jax.ShapeDtypeStruct((T_ROWS, D), jnp.float32),
        mesh=mesh,
        scratch_types=[
            pltpu.VMEM((EPC,), jnp.int32),
            pltpu.VMEM((EPC,), jnp.int32),
            pltpu.VMEM((EPC, D), jnp.float32),
            pltpu.VMEM((EPC, D), jnp.float32),
            pltpu.SemaphoreType.DMA,
            pltpu.SemaphoreType.DMA,
        ],
    )(x, idx0, idx1)

    out0 = pl.pallas_call(
        _copy_body,
        in_specs=[pl.BlockSpec(memory_space=pl.ANY)],
        out_specs=pl.BlockSpec(memory_space=pl.ANY),
        out_shape=jax.ShapeDtypeStruct((N_OUT, D), jnp.float32),
        scratch_shapes=[
            [pltpu.VMEM((CP_ROWS, D), jnp.float32) for _ in range(CP_N)],
            [pltpu.SemaphoreType.DMA for _ in range(CP_N)],
            [pltpu.SemaphoreType.DMA for _ in range(CP_N)],
        ],
    )(x)

    out = pl.pallas_call(
        _insert_body,
        grid=(1,),
        in_specs=[
            pl.BlockSpec((8, 128), lambda i: (0, 0)),
            pl.BlockSpec((CP_ROWS, D), lambda i: (0, 0)),
        ],
        out_specs=pl.BlockSpec((CP_ROWS, D), lambda i: (N_IN // CP_ROWS, 0)),
        out_shape=jax.ShapeDtypeStruct((N_OUT, D), jnp.float32),
        input_output_aliases={0: 0},
    )(out0, t)
    return out


def kernel(input, pool_idx):
    idx = pool_idx.astype(jnp.int32)
    pad = jnp.broadcast_to(idx[-1:], (E_PAD - E, 2))
    idx = jnp.concatenate([idx, pad], axis=0)
    return _run(input, idx[:, 0], idx[:, 1])

# --- scband reference (transcript-rebuilt; emitter-appended) ---
"""Pipeline reference for scband-graph-pooling-86517821211633 (READ-ONLY COPY).

The authoritative reference and input builder live on the scoring server;
editing this copy changes nothing except your own understanding.
"""

import jax, jax.numpy as jnp
import numpy as np

# pool_idx: 512 consecutive pairs [0,1],[2,3],...,[1022,1023] plus [9998,9999] so in_num = 9999
POOL_IDX = np.concatenate([
    np.stack([np.arange(0, 1024, 2), np.arange(1, 1024, 2)], axis=1),
    np.array([[9998, 9999]]),
], axis=0).astype(np.int64)  # [513, 2]


def setup_inputs(seed: int = 0) -> dict:
    key = jax.random.key(seed)
    x = jax.random.normal(key, (10000, 256), dtype=jnp.float32)
    pool_idx = jnp.asarray(POOL_IDX)
    return {"input": x, "pool_idx": pool_idx}


def reference(input, pool_idx):
    # new_features = input[pool_idx]  -> [E, 2, d]
    new_features = jnp.take(input, pool_idx, axis=0)
    # midpoint of each edge: average of the two endpoint features
    new_vertices = 0.5 * new_features.sum(axis=1)  # [E, d]
    # append new vertices to the original graph
    output = jnp.concatenate((input, new_vertices), axis=0)  # [N + E, d]
    return output

if __name__ == "__main__":
    import jax
    _d = setup_inputs()
    print(jax.jit(kernel)(*tuple(_d.values())))

</pallas_src>

<mosaic_0001>
#map = affine_map<(d0, d1) -> (0, 0)>
#map1 = affine_map<(d0, d1) -> (0)>
module attributes {stable_mosaic.version = 14 : i64} {
  func.func @_tail_kernel(%arg0: i32, %arg1: i32, %arg2: memref<10000x256xf32, #tpu.memory_space<hbm>>, %arg3: memref<520xi32, #tpu.memory_space<hbm>>, %arg4: memref<520xi32, #tpu.memory_space<hbm>>, %arg5: memref<1024x256xf32, #tpu.memory_space<hbm>>, %arg6: memref<24xi32, #tpu.memory_space<vmem>>, %arg7: memref<24xi32, #tpu.memory_space<vmem>>, %arg8: memref<24x256xf32, #tpu.memory_space<vmem>>, %arg9: memref<24x256xf32, #tpu.memory_space<vmem>>, %arg10: memref<!tpu.dma_semaphore, #tpu.memory_space<semaphore_mem>>, %arg11: memref<!tpu.dma_semaphore, #tpu.memory_space<semaphore_mem>>) attributes {dimension_semantics = [#tpu.dimension_semantics<core_parallel>, #tpu.dimension_semantics<subcore_parallel>], iteration_bounds = array<i64: 2, 16>, scalar_prefetch = 0 : i64, scratch_operands = 6 : i64, tpu.core_type = #tpu.core_type<sc_vector_subcore>, window_params = [{transform_indices = #map}, {transform_indices = #map1}, {transform_indices = #map1}, {transform_indices = #map}]} {
    %mul3A = arith.constant 2 : i32
    %mul3A_0 = arith.muli %arg1, %mul3A : i32
    %add3A = arith.addi %mul3A_0, %arg0 : i32
    %mul3A_1 = arith.constant 16 : i32
    %mul3A_2 = arith.muli %add3A, %mul3A_1 : i32
    "tpu.region"() ({
      %run_scoped3A = tpu.sem_alloc : memref<!tpu.dma_semaphore, #tpu.memory_space<semaphore_mem>>
      %dma_start3A_18 = tpu.memref_slice %arg3[%mul3A_2] : memref<520xi32, #tpu.memory_space<hbm>> -> memref<24xi32, #tpu.memory_space<hbm>>
      %dma_start3A_19 = tpu.memref_slice %arg3[%mul3A_2] : memref<520xi32, #tpu.memory_space<hbm>> -> memref<24xi32, #tpu.memory_space<hbm>>
      tpu.enqueue_dma source(%dma_start3A_19 : memref<24xi32, #tpu.memory_space<hbm>>) target(%arg6 : memref<24xi32, #tpu.memory_space<vmem>>) target_semaphore(%run_scoped3A : memref<!tpu.dma_semaphore, #tpu.memory_space<semaphore_mem>>)
      %dma_wait3A_20 = tpu.memref_slice %arg3[%mul3A_2] : memref<520xi32, #tpu.memory_space<hbm>> -> memref<24xi32, #tpu.memory_space<hbm>>
      %dma_wait3A_21 = tpu.memref_slice %arg3[%mul3A_2] : memref<520xi32, #tpu.memory_space<hbm>> -> memref<24xi32, #tpu.memory_space<hbm>>
      tpu.wait_dma2 semaphore(%run_scoped3A : memref<!tpu.dma_semaphore, #tpu.memory_space<semaphore_mem>>) src(%dma_wait3A_21 : memref<24xi32, #tpu.memory_space<hbm>>) dst(%arg6 : memref<24xi32, #tpu.memory_space<vmem>>)
      tpu.yield
    }) : () -> ()
    "tpu.region"() ({
      %run_scoped3A = tpu.sem_alloc : memref<!tpu.dma_semaphore, #tpu.memory_space<semaphore_mem>>
      %dma_start3A_18 = tpu.memref_slice %arg4[%mul3A_2] : memref<520xi32, #tpu.memory_space<hbm>> -> memref<24xi32, #tpu.memory_space<hbm>>
      %dma_start3A_19 = tpu.memref_slice %arg4[%mul3A_2] : memref<520xi32, #tpu.memory_space<hbm>> -> memref<24xi32, #tpu.memory_space<hbm>>
      tpu.enqueue_dma source(%dma_start3A_19 : memref<24xi32, #tpu.memory_space<hbm>>) target(%arg7 : memref<24xi32, #tpu.memory_space<vmem>>) target_semaphore(%run_scoped3A : memref<!tpu.dma_semaphore, #tpu.memory_space<semaphore_mem>>)
      %dma_wait3A_20 = tpu.memref_slice %arg4[%mul3A_2] : memref<520xi32, #tpu.memory_space<hbm>> -> memref<24xi32, #tpu.memory_space<hbm>>
      %dma_wait3A_21 = tpu.memref_slice %arg4[%mul3A_2] : memref<520xi32, #tpu.memory_space<hbm>> -> memref<24xi32, #tpu.memory_space<hbm>>
      tpu.wait_dma2 semaphore(%run_scoped3A : memref<!tpu.dma_semaphore, #tpu.memory_space<semaphore_mem>>) src(%dma_wait3A_21 : memref<24xi32, #tpu.memory_space<hbm>>) dst(%arg7 : memref<24xi32, #tpu.memory_space<vmem>>)
      tpu.yield
    }) : () -> ()
    %dma_start3A = arith.constant 0 : i32
    %dma_start3A_3 = arith.constant 0 : i32
    %dma_start3A_4 = tpu.memref_slice %arg2[%dma_start3A, %dma_start3A_3] : memref<10000x256xf32, #tpu.memory_space<hbm>> -> memref<10000x256xf32, #tpu.memory_space<hbm>>
    tpu.enqueue_indirect_dma source(%dma_start3A_4 : memref<10000x256xf32, #tpu.memory_space<hbm>>) target(%arg8 : memref<24x256xf32, #tpu.memory_space<vmem>>) offsets(%arg6 : memref<24xi32, #tpu.memory_space<vmem>>) semaphore(%arg10 : memref<!tpu.dma_semaphore, #tpu.memory_space<semaphore_mem>>)
    %dma_start3A_5 = arith.constant 0 : i32
    %dma_start3A_6 = arith.constant 0 : i32
    %dma_start3A_7 = tpu.memref_slice %arg2[%dma_start3A_5, %dma_start3A_6] : memref<10000x256xf32, #tpu.memory_space<hbm>> -> memref<10000x256xf32, #tpu.memory_space<hbm>>
    tpu.enqueue_indirect_dma source(%dma_start3A_7 : memref<10000x256xf32, #tpu.memory_space<hbm>>) target(%arg9 : memref<24x256xf32, #tpu.memory_space<vmem>>) offsets(%arg7 : memref<24xi32, #tpu.memory_space<vmem>>) semaphore(%arg11 : memref<!tpu.dma_semaphore, #tpu.memory_space<semaphore_mem>>)
    %dma_wait3A = arith.constant 0 : i32
    %dma_wait3A_8 = arith.constant 0 : i32
    %dma_wait3A_9 = tpu.memref_slice %arg2[%dma_wait3A, %dma_wait3A_8] : memref<10000x256xf32, #tpu.memory_space<hbm>> -> memref<10000x256xf32, #tpu.memory_space<hbm>>
    tpu.wait_indirect_dma semaphore(%arg10 : memref<!tpu.dma_semaphore, #tpu.memory_space<semaphore_mem>>) src(%dma_wait3A_9 : memref<10000x256xf32, #tpu.memory_space<hbm>>) dst(%arg8 : memref<24x256xf32, #tpu.memory_space<vmem>>)
    %dma_wait3A_10 = arith.constant 0 : i32
    %dma_wait3A_11 = arith.constant 0 : i32
    %dma_wait3A_12 = tpu.memref_slice %arg2[%dma_wait3A_10, %dma_wait3A_11] : memref<10000x256xf32, #tpu.memory_space<hbm>> -> memref<10000x256xf32, #tpu.memory_space<hbm>>
    tpu.wait_indirect_dma semaphore(%arg11 : memref<!tpu.dma_semaphore, #tpu.memory_space<semaphore_mem>>) src(%dma_wait3A_12 : memref<10000x256xf32, #tpu.memory_space<hbm>>) dst(%arg9 : memref<24x256xf32, #tpu.memory_space<vmem>>)
    %scan3A = arith.constant 0 : i32
    %scan3A_13 = arith.constant 0 : i32
    %scan3A_14 = arith.constant 24 : i32
    %scan3A_15 = arith.addi %scan3A_13, %scan3A_14 : i32
    %scan3A_16 = arith.constant 1 : i32
    scf.for %scan3A_18 = %scan3A_13 to %scan3A_15 step %scan3A_16  : i32 {
      %get3A = arith.index_cast %scan3A_18 : i32 to index
      %get3A_19 = arith.constant 0 : index
      %get3A_20 = tpu.vector_load %arg8[%get3A, %get3A_19] {strides = array<i32>} : memref<24x256xf32, #tpu.memory_space<vmem>>, vector<1x16xf32>,
      %get3A_21 = vector.shape_cast %get3A_20 : vector<1x16xf32> to vector<16xf32>
      %get3A_22 = arith.index_cast %scan3A_18 : i32 to index
      %get3A_23 = arith.constant 0 : index
      %get3A_24 = tpu.vector_load %arg9[%get3A_22, %get3A_23] {strides = array<i32>} : memref<24x256xf32, #tpu.memory_space<vmem>>, vector<1x16xf32>,
      %get3A_25 = vector.shape_cast %get3A_24 : vector<1x16xf32> to vector<16xf32>
      %add3A_26 = arith.addf %get3A_21, %get3A_25 : vector<16xf32>
      %mul3A_27 = arith.constant 5.000000e-01 : f32
      %mul3A_28 = vector.broadcast %mul3A_27 : f32 to vector<16xf32>
      %mul3A_29 = arith.mulf %add3A_26, %mul3A_28 : vector<16xf32>
      %swap3A = arith.index_cast %scan3A_18 : i32 to index
      %swap3A_30 = arith.constant 0 : index
      %swap3A_31 = tpu.vector_load %arg8[%swap3A, %swap3A_30] {strides = array<i32>} : memref<24x256xf32, #tpu.memory_space<vmem>>, vector<1x16xf32>,
      %swap3A_32 = vector.shape_cast %swap3A_31 : vector<1x16xf32> to vector<16xf32>
      %swap3A_33 = vector.shape_cast %mul3A_29 : vector<16xf32> to vector<1x16xf32>
      tpu.vector_store %arg8[%swap3A, %swap3A_30], %swap3A_33 {strides = array<i32>} : memref<24x256xf32, #tpu.memory_space<vmem>>, vector<1x16xf32>,
      %get3A_34 = arith.index_cast %scan3A_18 : i32 to index
      %get3A_35 = arith.constant 16 : index
      %get3A_36 = tpu.vector_load %arg8[%get3A_34, %get3A_35] {strides = array<i32>} : memref<24x256xf32, #tpu.memory_space<vmem>>, vector<1x16xf32>,
      %get3A_37 = vector.shape_cast %get3A_36 : vector<1x16xf32> to vector<16xf32>
      %get3A_38 = arith.index_cast %scan3A_18 : i32 to index
      %get3A_39 = arith.constant 16 : index
      %get3A_40 = tpu.vector_load %arg9[%get3A_38, %get3A_39] {strides = array<i32>} : memref<24x256xf32, #tpu.memory_space<vmem>>, vector<1x16xf32>,
      %get3A_41 = vector.shape_cast %get3A_40 : vector<1x16xf32> to vector<16xf32>
      %add3A_42 = arith.addf %get3A_37, %get3A_41 : vector<16xf32>
      %mul3A_43 = arith.constant 5.000000e-01 : f32
      %mul3A_44 = vector.broadcast %mul3A_43 : f32 to vector<16xf32>
      %mul3A_45 = arith.mulf %add3A_42, %mul3A_44 : vector<16xf32>
      %swap3A_46 = arith.index_cast %scan3A_18 : i32 to index
      %swap3A_47 = arith.constant 16 : index
      %swap3A_48 = tpu.vector_load %arg8[%swap3A_46, %swap3A_47] {strides = array<i32>} : memref<24x256xf32, #tpu.memory_space<vmem>>, vector<1x16xf32>,
      %swap3A_49 = vector.shape_cast %swap3A_48 : vector<1x16xf32> to vector<16xf32>
      %swap3A_50 = vector.shape_cast %mul3A_45 : vector<16xf32> to vector<1x16xf32>
      tpu.vector_store %arg8[%swap3A_46, %swap3A_47], %swap3A_50 {strides = array<i32>} : memref<24x256xf32, #tpu.memory_space<vmem>>, vector<1x16xf32>,
      %get3A_51 = arith.index_cast %scan3A_18 : i32 to index
      %get3A_52 = arith.constant 32 : index
      %get3A_53 = tpu.vector_load %arg8[%get3A_51, %get3A_52] {strides = array<i32>} : memref<24x256xf32, #tpu.memory_space<vmem>>, vector<1x16xf32>,
      %get3A_54 = vector.shape_cast %get3A_53 : vector<1x16xf32> to vector<16xf32>
      %get3A_55 = arith.index_cast %scan3A_18 : i32 to index
      %get3A_56 = arith.constant 32 : index
      %get3A_57 = tpu.vector_load %arg9[%get3A_55, %get3A_56] {strides = array<i32>} : memref<24x256xf32, #tpu.memory_space<vmem>>, vector<1x16xf32>,
      %get3A_58 = vector.shape_cast %get3A_57 : vector<1x16xf32> to vector<16xf32>
      %add3A_59 = arith.addf %get3A_54, %get3A_58 : vector<16xf32>
      %mul3A_60 = arith.constant 5.000000e-01 : f32
      %mul3A_61 = vector.broadcast %mul3A_60 : f32 to vector<16xf32>
      %mul3A_62 = arith.mulf %add3A_59, %mul3A_61 : vector<16xf32>
      %swap3A_63 = arith.index_cast %scan3A_18 : i32 to index
      %swap3A_64 = arith.constant 32 : index
      %swap3A_65 = tpu.vector_load %arg8[%swap3A_63, %swap3A_64] {strides = array<i32>} : memref<24x256xf32, #tpu.memory_space<vmem>>, vector<1x16xf32>,
      %swap3A_66 = vector.shape_cast %swap3A_65 : vector<1x16xf32> to vector<16xf32>
      %swap3A_67 = vector.shape_cast %mul3A_62 : vector<16xf32> to vector<1x16xf32>
      tpu.vector_store %arg8[%swap3A_63, %swap3A_64], %swap3A_67 {strides = array<i32>} : memref<24x256xf32, #tpu.memory_space<vmem>>, vector<1x16xf32>,
      %get3A_68 = arith.index_cast %scan3A_18 : i32 to index
      %get3A_69 = arith.constant 48 : index
      %get3A_70 = tpu.vector_load %arg8[%get3A_68, %get3A_69] {strides = array<i32>} : memref<24x256xf32, #tpu.memory_space<vmem>>, vector<1x16xf32>,
      %get3A_71 = vector.shape_cast %get3A_70 : vector<1x16xf32> to vector<16xf32>
      %get3A_72 = arith.index_cast %scan3A_18 : i32 to index
      %get3A_73 = arith.constant 48 : index
      %get3A_74 = tpu.vector_load %arg9[%get3A_72, %get3A_73] {strides = array<i32>} : memref<24x256xf32, #tpu.memory_space<vmem>>, vector<1x16xf32>,
      %get3A_75 = vector.shape_cast %get3A_74 : vector<1x16xf32> to vector<16xf32>
      %add3A_76 = arith.addf %get3A_71, %get3A_75 : vector<16xf32>
      %mul3A_77 = arith.constant 5.000000e-01 : f32
      %mul3A_78 = vector.broadcast %mul3A_77 : f32 to vector<16xf32>
      %mul3A_79 = arith.mulf %add3A_76, %mul3A_78 : vector<16xf32>
      %swap3A_80 = arith.index_cast %scan3A_18 : i32 to index
      %swap3A_81 = arith.constant 48 : index
      %swap3A_82 = tpu.vector_load %arg8[%swap3A_80, %swap3A_81] {strides = array<i32>} : memref<24x256xf32, #tpu.memory_space<vmem>>, vector<1x16xf32>,
      %swap3A_83 = vector.shape_cast %swap3A_82 : vector<1x16xf32> to vector<16xf32>
      %swap3A_84 = vector.shape_cast %mul3A_79 : vector<16xf32> to vector<1x16xf32>
      tpu.vector_store %arg8[%swap3A_80, %swap3A_81], %swap3A_84 {strides = array<i32>} : memref<24x256xf32, #tpu.memory_space<vmem>>, vector<1x16xf32>,
      %get3A_85 = arith.index_cast %scan3A_18 : i32 to index
      %get3A_86 = arith.constant 64 : index
      %get3A_87 = tpu.vector_load %arg8[%get3A_85, %get3A_86] {strides = array<i32>} : memref<24x256xf32, #tpu.memory_space<vmem>>, vector<1x16xf32>,
      %get3A_88 = vector.shape_cast %get3A_87 : vector<1x16xf32> to vector<16xf32>
      %get3A_89 = arith.index_cast %scan3A_18 : i32 to index
      %get3A_90 = arith.constant 64 : index
      %get3A_91 = tpu.vector_load %arg9[%get3A_89, %get3A_90] {strides = array<i32>} : memref<24x256xf32, #tpu.memory_space<vmem>>, vector<1x16xf32>,
      %get3A_92 = vector.shape_cast %get3A_91 : vector<1x16xf32> to vector<16xf32>
      %add3A_93 = arith.addf %get3A_88, %get3A_92 : vector<16xf32>
      %mul3A_94 = arith.constant 5.000000e-01 : f32
      %mul3A_95 = vector.broadcast %mul3A_94 : f32 to vector<16xf32>
      %mul3A_96 = arith.mulf %add3A_93, %mul3A_95 : vector<16xf32>
      %swap3A_97 = arith.index_cast %scan3A_18 : i32 to index
      %swap3A_98 = arith.constant 64 : index
      %swap3A_99 = tpu.vector_load %arg8[%swap3A_97, %swap3A_98] {strides = array<i32>} : memref<24x256xf32, #tpu.memory_space<vmem>>, vector<1x16xf32>,
      %swap3A_100 = vector.shape_cast %swap3A_99 : vector<1x16xf32> to vector<16xf32>
      %swap3A_101 = vector.shape_cast %mul3A_96 : vector<16xf32> to vector<1x16xf32>
      tpu.vector_store %arg8[%swap3A_97, %swap3A_98], %swap3A_101 {strides = array<i32>} : memref<24x256xf32, #tpu.memory_space<vmem>>, vector<1x16xf32>,
      %get3A_102 = arith.index_cast %scan3A_18 : i32 to index
      %get3A_103 = arith.constant 80 : index
      %get3A_104 = tpu.vector_load %arg8[%get3A_102, %get3A_103] {strides = array<i32>} : memref<24x256xf32, #tpu.memory_space<vmem>>, vector<1x16xf32>,
      %get3A_105 = vector.shape_cast %get3A_104 : vector<1x16xf32> to vector<16xf32>
      %get3A_106 = arith.index_cast %scan3A_18 : i32 to index
      %get3A_107 = arith.constant 80 : index
      %get3A_108 = tpu.vector_load %arg9[%get3A_106, %get3A_107] {strides = array<i32>} : memref<24x256xf32, #tpu.memory_space<vmem>>, vector<1x16xf32>,
      %get3A_109 = vector.shape_cast %get3A_108 : vector<1x16xf32> to vector<16xf32>
      %add3A_110 = arith.addf %get3A_105, %get3A_109 : vector<16xf32>
      %mul3A_111 = arith.constant 5.000000e-01 : f32
      %mul3A_112 = vector.broadcast %mul3A_111 : f32 to vector<16xf32>
      %mul3A_113 = arith.mulf %add3A_110, %mul3A_112 : vector<16xf32>
      %swap3A_114 = arith.index_cast %scan3A_18 : i32 to index
      %swap3A_115 = arith.constant 80 : index
      %swap3A_116 = tpu.vector_load %arg8[%swap3A_114, %swap3A_115] {strides = array<i32>} : memref<24x256xf32, #tpu.memory_space<vmem>>, vector<1x16xf32>,
      %swap3A_117 = vector.shape_cast %swap3A_116 : vector<1x16xf32> to vector<16xf32>
      %swap3A_118 = vector.shape_cast %mul3A_113 : vector<16xf32> to vector<1x16xf32>
      tpu.vector_store %arg8[%swap3A_114, %swap3A_115], %swap3A_118 {strides = array<i32>} : memref<24x256xf32, #tpu.memory_space<vmem>>, vector<1x16xf32>,
      %get3A_119 = arith.index_cast %scan3A_18 : i32 to index
      %get3A_120 = arith.constant 96 : index
      %get3A_121 = tpu.vector_load %arg8[%get3A_119, %get3A_120] {strides = array<i32>} : memref<24x256xf32, #tpu.memory_space<vmem>>, vector<1x16xf32>,
      %get3A_122 = vector.shape_cast %get3A_121 : vector<1x16xf32> to vector<16xf32>
      %get3A_123 = arith.index_cast %scan3A_18 : i32 to index
      %get3A_124 = arith.constant 96 : index
      %get3A_125 = tpu.vector_load %arg9[%get3A_123, %get3A_124] {strides = array<i32>} : memref<24x256xf32, #tpu.memory_space<vmem>>, vector<1x16xf32>,
      %get3A_126 = vector.shape_cast %get3A_125 : vector<1x16xf32> to vector<16xf32>
      %add3A_127 = arith.addf %get3A_122, %get3A_126 : vector<16xf32>
      %mul3A_128 = arith.constant 5.000000e-01 : f32
      %mul3A_129 = vector.broadcast %mul3A_128 : f32 to vector<16xf32>
      %mul3A_130 = arith.mulf %add3A_127, %mul3A_129 : vector<16xf32>
      %swap3A_131 = arith.index_cast %scan3A_18 : i32 to index
      %swap3A_132 = arith.constant 96 : index
      %swap3A_133 = tpu.vector_load %arg8[%swap3A_131, %swap3A_132] {strides = array<i32>} : memref<24x256xf32, #tpu.memory_space<vmem>>, vector<1x16xf32>,
      %swap3A_134 = vector.shape_cast %swap3A_133 : vector<1x16xf32> to vector<16xf32>
      %swap3A_135 = vector.shape_cast %mul3A_130 : vector<16xf32> to vector<1x16xf32>
      tpu.vector_store %arg8[%swap3A_131, %swap3A_132], %swap3A_135 {strides = array<i32>} : memref<24x256xf32, #tpu.memory_space<vmem>>, vector<1x16xf32>,
      %get3A_136 = arith.index_cast %scan3A_18 : i32 to index
      %get3A_137 = arith.constant 112 : index
      %get3A_138 = tpu.vector_load %arg8[%get3A_136, %get3A_137] {strides = array<i32>} : memref<24x256xf32, #tpu.memory_space<vmem>>, vector<1x16xf32>,
      %get3A_139 = vector.shape_cast %get3A_138 : vector<1x16xf32> to vector<16xf32>
      %get3A_140 = arith.index_cast %scan3A_18 : i32 to index
      %get3A_141 = arith.constant 112 : index
      %get3A_142 = tpu.vector_load %arg9[%get3A_140, %get3A_141] {strides = array<i32>} : memref<24x256xf32, #tpu.memory_space<vmem>>, vector<1x16xf32>,
      %get3A_143 = vector.shape_cast %get3A_142 : vector<1x16xf32> to vector<16xf32>
      %add3A_144 = arith.addf %get3A_139, %get3A_143 : vector<16xf32>
      %mul3A_145 = arith.constant 5.000000e-01 : f32
      %mul3A_146 = vector.broadcast %mul3A_145 : f32 to vector<16xf32>
      %mul3A_147 = arith.mulf %add3A_144, %mul3A_146 : vector<16xf32>
      %swap3A_148 = arith.index_cast %scan3A_18 : i32 to index
      %swap3A_149 = arith.constant 112 : index
      %swap3A_150 = tpu.vector_load %arg8[%swap3A_148, %swap3A_149] {strides = array<i32>} : memref<24x256xf32, #tpu.memory_space<vmem>>, vector<1x16xf32>,
      %swap3A_151 = vector.shape_cast %swap3A_150 : vector<1x16xf32> to vector<16xf32>
      %swap3A_152 = vector.shape_cast %mul3A_147 : vector<16xf32> to vector<1x16xf32>
      tpu.vector_store %arg8[%swap3A_148, %swap3A_149], %swap3A_152 {strides = array<i32>} : memref<24x256xf32, #tpu.memory_space<vmem>>, vector<1x16xf32>,
      %get3A_153 = arith.index_cast %scan3A_18 : i32 to index
      %get3A_154 = arith.constant 128 : index
      %get3A_155 = tpu.vector_load %arg8[%get3A_153, %get3A_154] {strides = array<i32>} : memref<24x256xf32, #tpu.memory_space<vmem>>, vector<1x16xf32>,
      %get3A_156 = vector.shape_cast %get3A_155 : vector<1x16xf32> to vector<16xf32>
      %get3A_157 = arith.index_cast %scan3A_18 : i32 to index
      %get3A_158 = arith.constant 128 : index
      %get3A_159 = tpu.vector_load %arg9[%get3A_157, %get3A_158] {strides = array<i32>} : memref<24x256xf32, #tpu.memory_space<vmem>>, vector<1x16xf32>,
      %get3A_160 = vector.shape_cast %get3A_159 : vector<1x16xf32> to vector<16xf32>
      %add3A_161 = arith.addf %get3A_156, %get3A_160 : vector<16xf32>
      %mul3A_162 = arith.constant 5.000000e-01 : f32
      %mul3A_163 = vector.broadcast %mul3A_162 : f32 to vector<16xf32>
      %mul3A_164 = arith.mulf %add3A_161, %mul3A_163 : vector<16xf32>
      %swap3A_165 = arith.index_cast %scan3A_18 : i32 to index
      %swap3A_166 = arith.constant 128 : index
      %swap3A_167 = tpu.vector_load %arg8[%swap3A_165, %swap3A_166] {strides = array<i32>} : memref<24x256xf32, #tpu.memory_space<vmem>>, vector<1x16xf32>,
      %swap3A_168 = vector.shape_cast %swap3A_167 : vector<1x16xf32> to vector<16xf32>
      %swap3A_169 = vector.shape_cast %mul3A_164 : vector<16xf32> to vector<1x16xf32>
      tpu.vector_store %arg8[%swap3A_165, %swap3A_166], %swap3A_169 {strides = array<i32>} : memref<24x256xf32, #tpu.memory_space<vmem>>, vector<1x16xf32>,
      %get3A_170 = arith.index_cast %scan3A_18 : i32 to index
      %get3A_171 = arith.constant 144 : index
      %get3A_172 = tpu.vector_load %arg8[%get3A_170, %get3A_171] {strides = array<i32>} : memref<24x256xf32, #tpu.memory_space<vmem>>, vector<1x16xf32>,
      %get3A_173 = vector.shape_cast %get3A_172 : vector<1x16xf32> to vector<16xf32>
      %get3A_174 = arith.index_cast %scan3A_18 : i32 to index
      %get3A_175 = arith.constant 144 : index
      %get3A_176 = tpu.vector_load %arg9[%get3A_174, %get3A_175] {strides = array<i32>} : memref<24x256xf32, #tpu.memory_space<vmem>>, vector<1x16xf32>,
      %get3A_177 = vector.shape_cast %get3A_176 : vector<1x16xf32> to vector<16xf32>
      %add3A_178 = arith.addf %get3A_173, %get3A_177 : vector<16xf32>
      %mul3A_179 = arith.constant 5.000000e-01 : f32
      %mul3A_180 = vector.broadcast %mul3A_179 : f32 to vector<16xf32>
      %mul3A_181 = arith.mulf %add3A_178, %mul3A_180 : vector<16xf32>
      %swap3A_182 = arith.index_cast %scan3A_18 : i32 to index
      %swap3A_183 = arith.constant 144 : index
      %swap3A_184 = tpu.vector_load %arg8[%swap3A_182, %swap3A_183] {strides = array<i32>} : memref<24x256xf32, #tpu.memory_space<vmem>>, vector<1x16xf32>,
      %swap3A_185 = vector.shape_cast %swap3A_184 : vector<1x16xf32> to vector<16xf32>
      %swap3A_186 = vector.shape_cast %mul3A_181 : vector<16xf32> to vector<1x16xf32>
      tpu.vector_store %arg8[%swap3A_182, %swap3A_183], %swap3A_186 {strides = array<i32>} : memref<24x256xf32, #tpu.memory_space<vmem>>, vector<1x16xf32>,
      %get3A_187 = arith.index_cast %scan3A_18 : i32 to index
      %get3A_188 = arith.constant 160 : index
      %get3A_189 = tpu.vector_load %arg8[%get3A_187, %get3A_188] {strides = array<i32>} : memref<24x256xf32, #tpu.memory_space<vmem>>, vector<1x16xf32>,
      %get3A_190 = vector.shape_cast %get3A_189 : vector<1x16xf32> to vector<16xf32>
      %get3A_191 = arith.index_cast %scan3A_18 : i32 to index
      %get3A_192 = arith.constant 160 : index
      %get3A_193 = tpu.vector_load %arg9[%get3A_191, %get3A_192] {strides = array<i32>} : memref<24x256xf32, #tpu.memory_space<vmem>>, vector<1x16xf32>,
      %get3A_194 = vector.shape_cast %get3A_193 : vector<1x16xf32> to vector<16xf32>
      %add3A_195 = arith.addf %get3A_190, %get3A_194 : vector<16xf32>
      %mul3A_196 = arith.constant 5.000000e-01 : f32
      %mul3A_197 = vector.broadcast %mul3A_196 : f32 to vector<16xf32>
      %mul3A_198 = arith.mulf %add3A_195, %mul3A_197 : vector<16xf32>
      %swap3A_199 = arith.index_cast %scan3A_18 : i32 to index
      %swap3A_200 = arith.constant 160 : index
      %swap3A_201 = tpu.vector_load %arg8[%swap3A_199, %swap3A_200] {strides = array<i32>} : memref<24x256xf32, #tpu.memory_space<vmem>>, vector<1x16xf32>,
      %swap3A_202 = vector.shape_cast %swap3A_201 : vector<1x16xf32> to vector<16xf32>
      %swap3A_203 = vector.shape_cast %mul3A_198 : vector<16xf32> to vector<1x16xf32>
      tpu.vector_store %arg8[%swap3A_199, %swap3A_200], %swap3A_203 {strides = array<i32>} : memref<24x256xf32, #tpu.memory_space<vmem>>, vector<1x16xf32>,
      %get3A_204 = arith.index_cast %scan3A_18 : i32 to index
      %get3A_205 = arith.constant 176 : index
      %get3A_206 = tpu.vector_load %arg8[%get3A_204, %get3A_205] {strides = array<i32>} : memref<24x256xf32, #tpu.memory_space<vmem>>, vector<1x16xf32>,
      %get3A_207 = vector.shape_cast %get3A_206 : vector<1x16xf32> to vector<16xf32>
      %get3A_208 = arith.index_cast %scan3A_18 : i32 to index
      %get3A_209 = arith.constant 176 : index
      %get3A_210 = tpu.vector_load %arg9[%get3A_208, %get3A_209] {strides = array<i32>} : memref<24x256xf32, #tpu.memory_space<vmem>>, vector<1x16xf32>,
      %get3A_211 = vector.shape_cast %get3A_210 : vector<1x16xf32> to vector<16xf32>
      %add3A_212 = arith.addf %get3A_207, %get3A_211 : vector<16xf32>
      %mul3A_213 = arith.constant 5.000000e-01 : f32
      %mul3A_214 = vector.broadcast %mul3A_213 : f32 to vector<16xf32>
      %mul3A_215 = arith.mulf %add3A_212, %mul3A_214 : vector<16xf32>
      %swap3A_216 = arith.index_cast %scan3A_18 : i32 to index
      %swap3A_217 = arith.constant 176 : index
      %swap3A_218 = tpu.vector_load %arg8[%swap3A_216, %swap3A_217] {strides = array<i32>} : memref<24x256xf32, #tpu.memory_space<vmem>>, vector<1x16xf32>,
      %swap3A_219 = vector.shape_cast %swap3A_218 : vector<1x16xf32> to vector<16xf32>
      %swap3A_220 = vector.shape_cast %mul3A_215 : vector<16xf32> to vector<1x16xf32>
      tpu.vector_store %arg8[%swap3A_216, %swap3A_217], %swap3A_220 {strides = array<i32>} : memref<24x256xf32, #tpu.memory_space<vmem>>, vector<1x16xf32>,
      %get3A_221 = arith.index_cast %scan3A_18 : i32 to index
      %get3A_222 = arith.constant 192 : index
      %get3A_223 = tpu.vector_load %arg8[%get3A_221, %get3A_222] {strides = array<i32>} : memref<24x256xf32, #tpu.memory_space<vmem>>, vector<1x16xf32>,
      %get3A_224 = vector.shape_cast %get3A_223 : vector<1x16xf32> to vector<16xf32>
      %get3A_225 = arith.index_cast %scan3A_18 : i32 to index
      %get3A_226 = arith.constant 192 : index
      %get3A_227 = tpu.vector_load %arg9[%get3A_225, %get3A_226] {strides = array<i32>} : memref<24x256xf32, #tpu.memory_space<vmem>>, vector<1x16xf32>,
      %get3A_228 = vector.shape_cast %get3A_227 : vector<1x16xf32> to vector<16xf32>
      %add3A_229 = arith.addf %get3A_224, %get3A_228 : vector<16xf32>
      %mul3A_230 = arith.constant 5.000000e-01 : f32
      %mul3A_231 = vector.broadcast %mul3A_230 : f32 to vector<16xf32>
      %mul3A_232 = arith.mulf %add3A_229, %mul3A_231 : vector<16xf32>
      %swap3A_233 = arith.index_cast %scan3A_18 : i32 to index
      %swap3A_234 = arith.constant 192 : index
      %swap3A_235 = tpu.vector_load %arg8[%swap3A_233, %swap3A_234] {strides = array<i32>} : memref<24x256xf32, #tpu.memory_space<vmem>>, vector<1x16xf32>,
      %swap3A_236 = vector.shape_cast %swap3A_235 : vector<1x16xf32> to vector<16xf32>
      %swap3A_237 = vector.shape_cast %mul3A_232 : vector<16xf32> to vector<1x16xf32>
      tpu.vector_store %arg8[%swap3A_233, %swap3A_234], %swap3A_237 {strides = array<i32>} : memref<24x256xf32, #tpu.memory_space<vmem>>, vector<1x16xf32>,
      %get3A_238 = arith.index_cast %scan3A_18 : i32 to index
      %get3A_239 = arith.constant 208 : index
      %get3A_240 = tpu.vector_load %arg8[%get3A_238, %get3A_239] {strides = array<i32>} : memref<24x256xf32, #tpu.memory_space<vmem>>, vector<1x16xf32>,
      %get3A_241 = vector.shape_cast %get3A_240 : vector<1x16xf32> to vector<16xf32>
      %get3A_242 = arith.index_cast %scan3A_18 : i32 to index
      %get3A_243 = arith.constant 208 : index
      %get3A_244 = tpu.vector_load %arg9[%get3A_242, %get3A_243] {strides = array<i32>} : memref<24x256xf32, #tpu.memory_space<vmem>>, vector<1x16xf32>,
      %get3A_245 = vector.shape_cast %get3A_244 : vector<1x16xf32> to vector<16xf32>
      %add3A_246 = arith.addf %get3A_241, %get3A_245 : vector<16xf32>
      %mul3A_247 = arith.constant 5.000000e-01 : f32
      %mul3A_248 = vector.broadcast %mul3A_247 : f32 to vector<16xf32>
      %mul3A_249 = arith.mulf %add3A_246, %mul3A_248 : vector<16xf32>
      %swap3A_250 = arith.index_cast %scan3A_18 : i32 to index
      %swap3A_251 = arith.constant 208 : index
      %swap3A_252 = tpu.vector_load %arg8[%swap3A_250, %swap3A_251] {strides = array<i32>} : memref<24x256xf32, #tpu.memory_space<vmem>>, vector<1x16xf32>,
      %swap3A_253 = vector.shape_cast %swap3A_252 : vector<1x16xf32> to vector<16xf32>
      %swap3A_254 = vector.shape_cast %mul3A_249 : vector<16xf32> to vector<1x16xf32>
      tpu.vector_store %arg8[%swap3A_250, %swap3A_251], %swap3A_254 {strides = array<i32>} : memref<24x256xf32, #tpu.memory_space<vmem>>, vector<1x16xf32>,
      %get3A_255 = arith.index_cast %scan3A_18 : i32 to index
      %get3A_256 = arith.constant 224 : index
      %get3A_257 = tpu.vector_load %arg8[%get3A_255, %get3A_256] {strides = array<i32>} : memref<24x256xf32, #tpu.memory_space<vmem>>, vector<1x16xf32>,
      %get3A_258 = vector.shape_cast %get3A_257 : vector<1x16xf32> to vector<16xf32>
      %get3A_259 = arith.index_cast %scan3A_18 : i32 to index
      %get3A_260 = arith.constant 224 : index
      %get3A_261 = tpu.vector_load %arg9[%get3A_259, %get3A_260] {strides = array<i32>} : memref<24x256xf32, #tpu.memory_space<vmem>>, vector<1x16xf32>,
      %get3A_262 = vector.shape_cast %get3A_261 : vector<1x16xf32> to vector<16xf32>
      %add3A_263 = arith.addf %get3A_258, %get3A_262 : vector<16xf32>
      %mul3A_264 = arith.constant 5.000000e-01 : f32
      %mul3A_265 = vector.broadcast %mul3A_264 : f32 to vector<16xf32>
      %mul3A_266 = arith.mulf %add3A_263, %mul3A_265 : vector<16xf32>
      %swap3A_267 = arith.index_cast %scan3A_18 : i32 to index
      %swap3A_268 = arith.constant 224 : index
      %swap3A_269 = tpu.vector_load %arg8[%swap3A_267, %swap3A_268] {strides = array<i32>} : memref<24x256xf32, #tpu.memory_space<vmem>>, vector<1x16xf32>,
      %swap3A_270 = vector.shape_cast %swap3A_269 : vector<1x16xf32> to vector<16xf32>
      %swap3A_271 = vector.shape_cast %mul3A_266 : vector<16xf32> to vector<1x16xf32>
      tpu.vector_store %arg8[%swap3A_267, %swap3A_268], %swap3A_271 {strides = array<i32>} : memref<24x256xf32, #tpu.memory_space<vmem>>, vector<1x16xf32>,
      %get3A_272 = arith.index_cast %scan3A_18 : i32 to index
      %get3A_273 = arith.constant 240 : index
      %get3A_274 = tpu.vector_load %arg8[%get3A_272, %get3A_273] {strides = array<i32>} : memref<24x256xf32, #tpu.memory_space<vmem>>, vector<1x16xf32>,
      %get3A_275 = vector.shape_cast %get3A_274 : vector<1x16xf32> to vector<16xf32>
      %get3A_276 = arith.index_cast %scan3A_18 : i32 to index
      %get3A_277 = arith.constant 240 : index
      %get3A_278 = tpu.vector_load %arg9[%get3A_276, %get3A_277] {strides = array<i32>} : memref<24x256xf32, #tpu.memory_space<vmem>>, vector<1x16xf32>,
      %get3A_279 = vector.shape_cast %get3A_278 : vector<1x16xf32> to vector<16xf32>
      %add3A_280 = arith.addf %get3A_275, %get3A_279 : vector<16xf32>
      %mul3A_281 = arith.constant 5.000000e-01 : f32
      %mul3A_282 = vector.broadcast %mul3A_281 : f32 to vector<16xf32>
      %mul3A_283 = arith.mulf %add3A_280, %mul3A_282 : vector<16xf32>
      %swap3A_284 = arith.index_cast %scan3A_18 : i32 to index
      %swap3A_285 = arith.constant 240 : index
      %swap3A_286 = tpu.vector_load %arg8[%swap3A_284, %swap3A_285] {strides = array<i32>} : memref<24x256xf32, #tpu.memory_space<vmem>>, vector<1x16xf32>,
      %swap3A_287 = vector.shape_cast %swap3A_286 : vector<1x16xf32> to vector<16xf32>
      %swap3A_288 = vector.shape_cast %mul3A_283 : vector<16xf32> to vector<1x16xf32>
      tpu.vector_store %arg8[%swap3A_284, %swap3A_285], %swap3A_288 {strides = array<i32>} : memref<24x256xf32, #tpu.memory_space<vmem>>, vector<1x16xf32>,
    }
    %scan3A_17 = arith.constant 24 : i32
    "tpu.region"() ({
      %run_scoped3A = tpu.sem_alloc : memref<!tpu.dma_semaphore, #tpu.memory_space<semaphore_mem>>
      %dma_start3A_18 = arith.constant 0 : i32
      %dma_start3A_19 = tpu.memref_slice %arg5[%mul3A_2, %dma_start3A_18] : memref<1024x256xf32, #tpu.memory_space<hbm>> -> memref<24x256xf32, #tpu.memory_space<hbm>>
      %dma_start3A_20 = arith.constant 0 : i32
      %dma_start3A_21 = tpu.memref_slice %arg5[%mul3A_2, %dma_start3A_20] : memref<1024x256xf32, #tpu.memory_space<hbm>> -> memref<24x256xf32, #tpu.memory_space<hbm>>
      tpu.enqueue_dma source(%arg8 : memref<24x256xf32, #tpu.memory_space<vmem>>) target(%dma_start3A_21 : memref<24x256xf32, #tpu.memory_space<hbm>>) target_semaphore(%run_scoped3A : memref<!tpu.dma_semaphore, #tpu.memory_space<semaphore_mem>>)
      %dma_wait3A_22 = arith.constant 0 : i32
      %dma_wait3A_23 = tpu.memref_slice %arg5[%mul3A_2, %dma_wait3A_22] : memref<1024x256xf32, #tpu.memory_space<hbm>> -> memref<24x256xf32, #tpu.memory_space<hbm>>
      %dma_wait3A_24 = arith.constant 0 : i32
      %dma_wait3A_25 = tpu.memref_slice %arg5[%mul3A_2, %dma_wait3A_24] : memref<1024x256xf32, #tpu.memory_space<hbm>> -> memref<24x256xf32, #tpu.memory_space<hbm>>
      tpu.wait_dma2 semaphore(%run_scoped3A : memref<!tpu.dma_semaphore, #tpu.memory_space<semaphore_mem>>) src(%arg8 : memref<24x256xf32, #tpu.memory_space<vmem>>) dst(%dma_wait3A_25 : memref<24x256xf32, #tpu.memory_space<hbm>>)
      tpu.yield
    }) : () -> ()
    return
  }
}

module attributes {stable_mosaic.version = 14 : i64} {
  func.func @_copy_body(%arg0: memref<10000x256xf32, #tpu.memory_space<any>>, %arg1: memref<10513x256xf32, #tpu.memory_space<any>>, %arg2: memref<1000x256xf32, #tpu.memory_space<vmem>>, %arg3: memref<1000x256xf32, #tpu.memory_space<vmem>>, %arg4: memref<1000x256xf32, #tpu.memory_space<vmem>>, %arg5: memref<1000x256xf32, #tpu.memory_space<vmem>>, %arg6: memref<1000x256xf32, #tpu.memory_space<vmem>>, %arg7: memref<1000x256xf32, #tpu.memory_space<vmem>>, %arg8: memref<1000x256xf32, #tpu.memory_space<vmem>>, %arg9: memref<1000x256xf32, #tpu.memory_space<vmem>>, %arg10: memref<1000x256xf32, #tpu.memory_space<vmem>>, %arg11: memref<1000x256xf32, #tpu.memory_space<vmem>>, %arg12: memref<!tpu.dma_semaphore, #tpu.memory_space<semaphore_mem>>, %arg13: memref<!tpu.dma_semaphore, #tpu.memory_space<semaphore_mem>>, %arg14: memref<!tpu.dma_semaphore, #tpu.memory_space<semaphore_mem>>, %arg15: memref<!tpu.dma_semaphore, #tpu.memory_space<semaphore_mem>>, %arg16: memref<!tpu.dma_semaphore, #tpu.memory_space<semaphore_mem>>, %arg17: memref<!tpu.dma_semaphore, #tpu.memory_space<semaphore_mem>>, %arg18: memref<!tpu.dma_semaphore, #tpu.memory_space<semaphore_mem>>, %arg19: memref<!tpu.dma_semaphore, #tpu.memory_space<semaphore_mem>>, %arg20: memref<!tpu.dma_semaphore, #tpu.memory_space<semaphore_mem>>, %arg21: memref<!tpu.dma_semaphore, #tpu.memory_space<semaphore_mem>>, %arg22: memref<!tpu.dma_semaphore, #tpu.memory_space<semaphore_mem>>, %arg23: memref<!tpu.dma_semaphore, #tpu.memory_space<semaphore_mem>>, %arg24: memref<!tpu.dma_semaphore, #tpu.memory_space<semaphore_mem>>, %arg25: memref<!tpu.dma_semaphore, #tpu.memory_space<semaphore_mem>>, %arg26: memref<!tpu.dma_semaphore, #tpu.memory_space<semaphore_mem>>, %arg27: memref<!tpu.dma_semaphore, #tpu.memory_space<semaphore_mem>>, %arg28: memref<!tpu.dma_semaphore, #tpu.memory_space<semaphore_mem>>, %arg29: memref<!tpu.dma_semaphore, #tpu.memory_space<semaphore_mem>>, %arg30: memref<!tpu.dma_semaphore, #tpu.memory_space<semaphore_mem>>, %arg31: memref<!tpu.dma_semaphore, #tpu.memory_space<semaphore_mem>>) attributes {dimension_semantics = [], scalar_prefetch = 0 : i64, scratch_operands = 30 : i64, tpu.core_type = #tpu.core_type<tc>} {
    %dma_start3A = arith.constant 0 : i32
    %dma_start3A_0 = arith.constant 0 : i32
    %dma_start3A_1 = tpu.memref_slice %arg0[%dma_start3A, %dma_start3A_0] : memref<10000x256xf32, #tpu.memory_space<any>> -> memref<1000x256xf32, #tpu.memory_space<any>>
    tpu.enqueue_dma source(%dma_start3A_1 : memref<1000x256xf32, #tpu.memory_space<any>>) target(%arg2 : memref<1000x256xf32, #tpu.memory_space<vmem>>) target_semaphore(%arg12 : memref<!tpu.dma_semaphore, #tpu.memory_space<semaphore_mem>>)
    %dma_start3A_2 = arith.constant 1000 : i32
    %dma_start3A_3 = arith.constant 0 : i32
    %dma_start3A_4 = tpu.memref_slice %arg0[%dma_start3A_2, %dma_start3A_3] : memref<10000x256xf32, #tpu.memory_space<any>> -> memref<1000x256xf32, #tpu.memory_space<any>>
    tpu.enqueue_dma source(%dma_start3A_4 : memref<1000x256xf32, #tpu.memory_space<any>>) target(%arg3 : memref<1000x256xf32, #tpu.memory_space<vmem>>) target_semaphore(%arg13 : memref<!tpu.dma_semaphore, #tpu.memory_space<semaphore_mem>>)
    %dma_start3A_5 = arith.constant 2000 : i32
    %dma_start3A_6 = arith.constant 0 : i32
    %dma_start3A_7 = tpu.memref_slice %arg0[%dma_start3A_5, %dma_start3A_6] : memref<10000x256xf32, #tpu.memory_space<any>> -> memref<1000x256xf32, #tpu.memory_space<any>>
    tpu.enqueue_dma source(%dma_start3A_7 : memref<1000x256xf32, #tpu.memory_space<any>>) target(%arg4 : memref<1000x256xf32, #tpu.memory_space<vmem>>) target_semaphore(%arg14 : memref<!tpu.dma_semaphore, #tpu.memory_space<semaphore_mem>>)
    %dma_start3A_8 = arith.constant 3000 : i32
    %dma_start3A_9 = arith.constant 0 : i32
    %dma_start3A_10 = tpu.memref_slice %arg0[%dma_start3A_8, %dma_start3A_9] : memref<10000x256xf32, #tpu.memory_space<any>> -> memref<1000x256xf32, #tpu.memory_space<any>>
    tpu.enqueue_dma source(%dma_start3A_10 : memref<1000x256xf32, #tpu.memory_space<any>>) target(%arg5 : memref<1000x256xf32, #tpu.memory_space<vmem>>) target_semaphore(%arg15 : memref<!tpu.dma_semaphore, #tpu.memory_space<semaphore_mem>>)
    %dma_start3A_11 = arith.constant 4000 : i32
    %dma_start3A_12 = arith.constant 0 : i32
    %dma_start3A_13 = tpu.memref_slice %arg0[%dma_start3A_11, %dma_start3A_12] : memref<10000x256xf32, #tpu.memory_space<any>> -> memref<1000x256xf32, #tpu.memory_space<any>>
    tpu.enqueue_dma source(%dma_start3A_13 : memref<1000x256xf32, #tpu.memory_space<any>>) target(%arg6 : memref<1000x256xf32, #tpu.memory_space<vmem>>) target_semaphore(%arg16 : memref<!tpu.dma_semaphore, #tpu.memory_space<semaphore_mem>>)
    %dma_start3A_14 = arith.constant 5000 : i32
    %dma_start3A_15 = arith.constant 0 : i32
    %dma_start3A_16 = tpu.memref_slice %arg0[%dma_start3A_14, %dma_start3A_15] : memref<10000x256xf32, #tpu.memory_space<any>> -> memref<1000x256xf32, #tpu.memory_space<any>>
    tpu.enqueue_dma source(%dma_start3A_16 : memref<1000x256xf32, #tpu.memory_space<any>>) target(%arg7 : memref<1000x256xf32, #tpu.memory_space<vmem>>) target_semaphore(%arg17 : memref<!tpu.dma_semaphore, #tpu.memory_space<semaphore_mem>>)
    %dma_start3A_17 = arith.constant 6000 : i32
    %dma_start3A_18 = arith.constant 0 : i32
    %dma_start3A_19 = tpu.memref_slice %arg0[%dma_start3A_17, %dma_start3A_18] : memref<10000x256xf32, #tpu.memory_space<any>> -> memref<1000x256xf32, #tpu.memory_space<any>>
    tpu.enqueue_dma source(%dma_start3A_19 : memref<1000x256xf32, #tpu.memory_space<any>>) target(%arg8 : memref<1000x256xf32, #tpu.memory_space<vmem>>) target_semaphore(%arg18 : memref<!tpu.dma_semaphore, #tpu.memory_space<semaphore_mem>>)
    %dma_start3A_20 = arith.constant 7000 : i32
    %dma_start3A_21 = arith.constant 0 : i32
    %dma_start3A_22 = tpu.memref_slice %arg0[%dma_start3A_20, %dma_start3A_21] : memref<10000x256xf32, #tpu.memory_space<any>> -> memref<1000x256xf32, #tpu.memory_space<any>>
    tpu.enqueue_dma source(%dma_start3A_22 : memref<1000x256xf32, #tpu.memory_space<any>>) target(%arg9 : memref<1000x256xf32, #tpu.memory_space<vmem>>) target_semaphore(%arg19 : memref<!tpu.dma_semaphore, #tpu.memory_space<semaphore_mem>>)
    %dma_start3A_23 = arith.constant 8000 : i32
    %dma_start3A_24 = arith.constant 0 : i32
    %dma_start3A_25 = tpu.memref_slice %arg0[%dma_start3A_23, %dma_start3A_24] : memref<10000x256xf32, #tpu.memory_space<any>> -> memref<1000x256xf32, #tpu.memory_space<any>>
    tpu.enqueue_dma source(%dma_start3A_25 : memref<1000x256xf32, #tpu.memory_space<any>>) target(%arg10 : memref<1000x256xf32, #tpu.memory_space<vmem>>) target_semaphore(%arg20 : memref<!tpu.dma_semaphore, #tpu.memory_space<semaphore_mem>>)
    %dma_start3A_26 = arith.constant 9000 : i32
    %dma_start3A_27 = arith.constant 0 : i32
    %dma_start3A_28 = tpu.memref_slice %arg0[%dma_start3A_26, %dma_start3A_27] : memref<10000x256xf32, #tpu.memory_space<any>> -> memref<1000x256xf32, #tpu.memory_space<any>>
    tpu.enqueue_dma source(%dma_start3A_28 : memref<1000x256xf32, #tpu.memory_space<any>>) target(%arg11 : memref<1000x256xf32, #tpu.memory_space<vmem>>) target_semaphore(%arg21 : memref<!tpu.dma_semaphore, #tpu.memory_space<semaphore_mem>>)
    %dma_wait3A = arith.constant 0 : i32
    %dma_wait3A_29 = arith.constant 0 : i32
    %dma_wait3A_30 = tpu.memref_slice %arg0[%dma_wait3A, %dma_wait3A_29] : memref<10000x256xf32, #tpu.memory_space<any>> -> memref<1000x256xf32, #tpu.memory_space<any>>
    tpu.wait_dma2 semaphore(%arg12 : memref<!tpu.dma_semaphore, #tpu.memory_space<semaphore_mem>>) src(%dma_wait3A_30 : memref<1000x256xf32, #tpu.memory_space<any>>) dst(%arg2 : memref<1000x256xf32, #tpu.memory_space<vmem>>)
    %dma_start3A_31 = arith.constant 0 : i32
    %dma_start3A_32 = arith.constant 0 : i32
    %dma_start3A_33 = tpu.memref_slice %arg1[%dma_start3A_31, %dma_start3A_32] : memref<10513x256xf32, #tpu.memory_space<any>> -> memref<1000x256xf32, #tpu.memory_space<any>>
    tpu.enqueue_dma source(%arg2 : memref<1000x256xf32, #tpu.memory_space<vmem>>) target(%dma_start3A_33 : memref<1000x256xf32, #tpu.memory_space<any>>) target_semaphore(%arg22 : memref<!tpu.dma_semaphore, #tpu.memory_space<semaphore_mem>>)
    %dma_wait3A_34 = arith.constant 1000 : i32
    %dma_wait3A_35 = arith.constant 0 : i32
    %dma_wait3A_36 = tpu.memref_slice %arg0[%dma_wait3A_34, %dma_wait3A_35] : memref<10000x256xf32, #tpu.memory_space<any>> -> memref<1000x256xf32, #tpu.memory_space<any>>
    tpu.wait_dma2 semaphore(%arg13 : memref<!tpu.dma_semaphore, #tpu.memory_space<semaphore_mem>>) src(%dma_wait3A_36 : memref<1000x256xf32, #tpu.memory_space<any>>) dst(%arg3 : memref<1000x256xf32, #tpu.memory_space<vmem>>)
    %dma_start3A_37 = arith.constant 1000 : i32
    %dma_start3A_38 = arith.constant 0 : i32
    %dma_start3A_39 = tpu.memref_slice %arg1[%dma_start3A_37, %dma_start3A_38] : memref<10513x256xf32, #tpu.memory_space<any>> -> memref<1000x256xf32, #tpu.memory_space<any>>
    tpu.enqueue_dma source(%arg3 : memref<1000x256xf32, #tpu.memory_space<vmem>>) target(%dma_start3A_39 : memref<1000x256xf32, #tpu.memory_space<any>>) target_semaphore(%arg23 : memref<!tpu.dma_semaphore, #tpu.memory_space<semaphore_mem>>)
    %dma_wait3A_40 = arith.constant 2000 : i32
    %dma_wait3A_41 = arith.constant 0 : i32
    %dma_wait3A_42 = tpu.memref_slice %arg0[%dma_wait3A_40, %dma_wait3A_41] : memref<10000x256xf32, #tpu.memory_space<any>> -> memref<1000x256xf32, #tpu.memory_space<any>>
    tpu.wait_dma2 semaphore(%arg14 : memref<!tpu.dma_semaphore, #tpu.memory_space<semaphore_mem>>) src(%dma_wait3A_42 : memref<1000x256xf32, #tpu.memory_space<any>>) dst(%arg4 : memref<1000x256xf32, #tpu.memory_space<vmem>>)
    %dma_start3A_43 = arith.constant 2000 : i32
    %dma_start3A_44 = arith.constant 0 : i32
    %dma_start3A_45 = tpu.memref_slice %arg1[%dma_start3A_43, %dma_start3A_44] : memref<10513x256xf32, #tpu.memory_space<any>> -> memref<1000x256xf32, #tpu.memory_space<any>>
    tpu.enqueue_dma source(%arg4 : memref<1000x256xf32, #tpu.memory_space<vmem>>) target(%dma_start3A_45 : memref<1000x256xf32, #tpu.memory_space<any>>) target_semaphore(%arg24 : memref<!tpu.dma_semaphore, #tpu.memory_space<semaphore_mem>>)
    %dma_wait3A_46 = arith.constant 3000 : i32
    %dma_wait3A_47 = arith.constant 0 : i32
    %dma_wait3A_48 = tpu.memref_slice %arg0[%dma_wait3A_46, %dma_wait3A_47] : memref<10000x256xf32, #tpu.memory_space<any>> -> memref<1000x256xf32, #tpu.memory_space<any>>
    tpu.wait_dma2 semaphore(%arg15 : memref<!tpu.dma_semaphore, #tpu.memory_space<semaphore_mem>>) src(%dma_wait3A_48 : memref<1000x256xf32, #tpu.memory_space<any>>) dst(%arg5 : memref<1000x256xf32, #tpu.memory_space<vmem>>)
    %dma_start3A_49 = arith.constant 3000 : i32
    %dma_start3A_50 = arith.constant 0 : i32
    %dma_start3A_51 = tpu.memref_slice %arg1[%dma_start3A_49, %dma_start3A_50] : memref<10513x256xf32, #tpu.memory_space<any>> -> memref<1000x256xf32, #tpu.memory_space<any>>
    tpu.enqueue_dma source(%arg5 : memref<1000x256xf32, #tpu.memory_space<vmem>>) target(%dma_start3A_51 : memref<1000x256xf32, #tpu.memory_space<any>>) target_semaphore(%arg25 : memref<!tpu.dma_semaphore, #tpu.memory_space<semaphore_mem>>)
    %dma_wait3A_52 = arith.constant 4000 : i32
    %dma_wait3A_53 = arith.constant 0 : i32
    %dma_wait3A_54 = tpu.memref_slice %arg0[%dma_wait3A_52, %dma_wait3A_53] : memref<10000x256xf32, #tpu.memory_space<any>> -> memref<1000x256xf32, #tpu.memory_space<any>>
    tpu.wait_dma2 semaphore(%arg16 : memref<!tpu.dma_semaphore, #tpu.memory_space<semaphore_mem>>) src(%dma_wait3A_54 : memref<1000x256xf32, #tpu.memory_space<any>>) dst(%arg6 : memref<1000x256xf32, #tpu.memory_space<vmem>>)
    %dma_start3A_55 = arith.constant 4000 : i32
    %dma_start3A_56 = arith.constant 0 : i32
    %dma_start3A_57 = tpu.memref_slice %arg1[%dma_start3A_55, %dma_start3A_56] : memref<10513x256xf32, #tpu.memory_space<any>> -> memref<1000x256xf32, #tpu.memory_space<any>>
    tpu.enqueue_dma source(%arg6 : memref<1000x256xf32, #tpu.memory_space<vmem>>) target(%dma_start3A_57 : memref<1000x256xf32, #tpu.memory_space<any>>) target_semaphore(%arg26 : memref<!tpu.dma_semaphore, #tpu.memory_space<semaphore_mem>>)
    %dma_wait3A_58 = arith.constant 5000 : i32
    %dma_wait3A_59 = arith.constant 0 : i32
    %dma_wait3A_60 = tpu.memref_slice %arg0[%dma_wait3A_58, %dma_wait3A_59] : memref<10000x256xf32, #tpu.memory_space<any>> -> memref<1000x256xf32, #tpu.memory_space<any>>
    tpu.wait_dma2 semaphore(%arg17 : memref<!tpu.dma_semaphore, #tpu.memory_space<semaphore_mem>>) src(%dma_wait3A_60 : memref<1000x256xf32, #tpu.memory_space<any>>) dst(%arg7 : memref<1000x256xf32, #tpu.memory_space<vmem>>)
    %dma_start3A_61 = arith.constant 5000 : i32
    %dma_start3A_62 = arith.constant 0 : i32
    %dma_start3A_63 = tpu.memref_slice %arg1[%dma_start3A_61, %dma_start3A_62] : memref<10513x256xf32, #tpu.memory_space<any>> -> memref<1000x256xf32, #tpu.memory_space<any>>
    tpu.enqueue_dma source(%arg7 : memref<1000x256xf32, #tpu.memory_space<vmem>>) target(%dma_start3A_63 : memref<1000x256xf32, #tpu.memory_space<any>>) target_semaphore(%arg27 : memref<!tpu.dma_semaphore, #tpu.memory_space<semaphore_mem>>)
    %dma_wait3A_64 = arith.constant 6000 : i32
    %dma_wait3A_65 = arith.constant 0 : i32
    %dma_wait3A_66 = tpu.memref_slice %arg0[%dma_wait3A_64, %dma_wait3A_65] : memref<10000x256xf32, #tpu.memory_space<any>> -> memref<1000x256xf32, #tpu.memory_space<any>>
    tpu.wait_dma2 semaphore(%arg18 : memref<!tpu.dma_semaphore, #tpu.memory_space<semaphore_mem>>) src(%dma_wait3A_66 : memref<1000x256xf32, #tpu.memory_space<any>>) dst(%arg8 : memref<1000x256xf32, #tpu.memory_space<vmem>>)
    %dma_start3A_67 = arith.constant 6000 : i32
    %dma_start3A_68 = arith.constant 0 : i32
    %dma_start3A_69 = tpu.memref_slice %arg1[%dma_start3A_67, %dma_start3A_68] : memref<10513x256xf32, #tpu.memory_space<any>> -> memref<1000x256xf32, #tpu.memory_space<any>>
    tpu.enqueue_dma source(%arg8 : memref<1000x256xf32, #tpu.memory_space<vmem>>) target(%dma_start3A_69 : memref<1000x256xf32, #tpu.memory_space<any>>) target_semaphore(%arg28 : memref<!tpu.dma_semaphore, #tpu.memory_space<semaphore_mem>>)
    %dma_wait3A_70 = arith.constant 7000 : i32
    %dma_wait3A_71 = arith.constant 0 : i32
    %dma_wait3A_72 = tpu.memref_slice %arg0[%dma_wait3A_70, %dma_wait3A_71] : memref<10000x256xf32, #tpu.memory_space<any>> -> memref<1000x256xf32, #tpu.memory_space<any>>
    tpu.wait_dma2 semaphore(%arg19 : memref<!tpu.dma_semaphore, #tpu.memory_space<semaphore_mem>>) src(%dma_wait3A_72 : memref<1000x256xf32, #tpu.memory_space<any>>) dst(%arg9 : memref<1000x256xf32, #tpu.memory_space<vmem>>)
    %dma_start3A_73 = arith.constant 7000 : i32
    %dma_start3A_74 = arith.constant 0 : i32
    %dma_start3A_75 = tpu.memref_slice %arg1[%dma_start3A_73, %dma_start3A_74] : memref<10513x256xf32, #tpu.memory_space<any>> -> memref<1000x256xf32, #tpu.memory_space<any>>
    tpu.enqueue_dma source(%arg9 : memref<1000x256xf32, #tpu.memory_space<vmem>>) target(%dma_start3A_75 : memref<1000x256xf32, #tpu.memory_space<any>>) target_semaphore(%arg29 : memref<!tpu.dma_semaphore, #tpu.memory_space<semaphore_mem>>)
    %dma_wait3A_76 = arith.constant 8000 : i32
    %dma_wait3A_77 = arith.constant 0 : i32
    %dma_wait3A_78 = tpu.memref_slice %arg0[%dma_wait3A_76, %dma_wait3A_77] : memref<10000x256xf32, #tpu.memory_space<any>> -> memref<1000x256xf32, #tpu.memory_space<any>>
    tpu.wait_dma2 semaphore(%arg20 : memref<!tpu.dma_semaphore, #tpu.memory_space<semaphore_mem>>) src(%dma_wait3A_78 : memref<1000x256xf32, #tpu.memory_space<any>>) dst(%arg10 : memref<1000x256xf32, #tpu.memory_space<vmem>>)
    %dma_start3A_79 = arith.constant 8000 : i32
    %dma_start3A_80 = arith.constant 0 : i32
    %dma_start3A_81 = tpu.memref_slice %arg1[%dma_start3A_79, %dma_start3A_80] : memref<10513x256xf32, #tpu.memory_space<any>> -> memref<1000x256xf32, #tpu.memory_space<any>>
    tpu.enqueue_dma source(%arg10 : memref<1000x256xf32, #tpu.memory_space<vmem>>) target(%dma_start3A_81 : memref<1000x256xf32, #tpu.memory_space<any>>) target_semaphore(%arg30 : memref<!tpu.dma_semaphore, #tpu.memory_space<semaphore_mem>>)
    %dma_wait3A_82 = arith.constant 9000 : i32
    %dma_wait3A_83 = arith.constant 0 : i32
    %dma_wait3A_84 = tpu.memref_slice %arg0[%dma_wait3A_82, %dma_wait3A_83] : memref<10000x256xf32, #tpu.memory_space<any>> -> memref<1000x256xf32, #tpu.memory_space<any>>
    tpu.wait_dma2 semaphore(%arg21 : memref<!tpu.dma_semaphore, #tpu.memory_space<semaphore_mem>>) src(%dma_wait3A_84 : memref<1000x256xf32, #tpu.memory_space<any>>) dst(%arg11 : memref<1000x256xf32, #tpu.memory_space<vmem>>)
    %dma_start3A_85 = arith.constant 9000 : i32
    %dma_start3A_86 = arith.constant 0 : i32
    %dma_start3A_87 = tpu.memref_slice %arg1[%dma_start3A_85, %dma_start3A_86] : memref<10513x256xf32, #tpu.memory_space<any>> -> memref<1000x256xf32, #tpu.memory_space<any>>
    tpu.enqueue_dma source(%arg11 : memref<1000x256xf32, #tpu.memory_space<vmem>>) target(%dma_start3A_87 : memref<1000x256xf32, #tpu.memory_space<any>>) target_semaphore(%arg31 : memref<!tpu.dma_semaphore, #tpu.memory_space<semaphore_mem>>)
    %dma_wait3A_88 = arith.constant 0 : i32
    %dma_wait3A_89 = arith.constant 0 : i32
    %dma_wait3A_90 = tpu.memref_slice %arg1[%dma_wait3A_88, %dma_wait3A_89] : memref<10513x256xf32, #tpu.memory_space<any>> -> memref<1000x256xf32, #tpu.memory_space<any>>
    tpu.wait_dma2 semaphore(%arg22 : memref<!tpu.dma_semaphore, #tpu.memory_space<semaphore_mem>>) src(%arg2 : memref<1000x256xf32, #tpu.memory_space<vmem>>) dst(%dma_wait3A_90 : memref<1000x256xf32, #tpu.memory_space<any>>)
    %dma_wait3A_91 = arith.constant 1000 : i32
    %dma_wait3A_92 = arith.constant 0 : i32
    %dma_wait3A_93 = tpu.memref_slice %arg1[%dma_wait3A_91, %dma_wait3A_92] : memref<10513x256xf32, #tpu.memory_space<any>> -> memref<1000x256xf32, #tpu.memory_space<any>>
    tpu.wait_dma2 semaphore(%arg23 : memref<!tpu.dma_semaphore, #tpu.memory_space<semaphore_mem>>) src(%arg3 : memref<1000x256xf32, #tpu.memory_space<vmem>>) dst(%dma_wait3A_93 : memref<1000x256xf32, #tpu.memory_space<any>>)
    %dma_wait3A_94 = arith.constant 2000 : i32
    %dma_wait3A_95 = arith.constant 0 : i32
    %dma_wait3A_96 = tpu.memref_slice %arg1[%dma_wait3A_94, %dma_wait3A_95] : memref<10513x256xf32, #tpu.memory_space<any>> -> memref<1000x256xf32, #tpu.memory_space<any>>
    tpu.wait_dma2 semaphore(%arg24 : memref<!tpu.dma_semaphore, #tpu.memory_space<semaphore_mem>>) src(%arg4 : memref<1000x256xf32, #tpu.memory_space<vmem>>) dst(%dma_wait3A_96 : memref<1000x256xf32, #tpu.memory_space<any>>)
    %dma_wait3A_97 = arith.constant 3000 : i32
    %dma_wait3A_98 = arith.constant 0 : i32
    %dma_wait3A_99 = tpu.memref_slice %arg1[%dma_wait3A_97, %dma_wait3A_98] : memref<10513x256xf32, #tpu.memory_space<any>> -> memref<1000x256xf32, #tpu.memory_space<any>>
    tpu.wait_dma2 semaphore(%arg25 : memref<!tpu.dma_semaphore, #tpu.memory_space<semaphore_mem>>) src(%arg5 : memref<1000x256xf32, #tpu.memory_space<vmem>>) dst(%dma_wait3A_99 : memref<1000x256xf32, #tpu.memory_space<any>>)
    %dma_wait3A_100 = arith.constant 4000 : i32
    %dma_wait3A_101 = arith.constant 0 : i32
    %dma_wait3A_102 = tpu.memref_slice %arg1[%dma_wait3A_100, %dma_wait3A_101] : memref<10513x256xf32, #tpu.memory_space<any>> -> memref<1000x256xf32, #tpu.memory_space<any>>
    tpu.wait_dma2 semaphore(%arg26 : memref<!tpu.dma_semaphore, #tpu.memory_space<semaphore_mem>>) src(%arg6 : memref<1000x256xf32, #tpu.memory_space<vmem>>) dst(%dma_wait3A_102 : memref<1000x256xf32, #tpu.memory_space<any>>)
    %dma_wait3A_103 = arith.constant 5000 : i32
    %dma_wait3A_104 = arith.constant 0 : i32
    %dma_wait3A_105 = tpu.memref_slice %arg1[%dma_wait3A_103, %dma_wait3A_104] : memref<10513x256xf32, #tpu.memory_space<any>> -> memref<1000x256xf32, #tpu.memory_space<any>>
    tpu.wait_dma2 semaphore(%arg27 : memref<!tpu.dma_semaphore, #tpu.memory_space<semaphore_mem>>) src(%arg7 : memref<1000x256xf32, #tpu.memory_space<vmem>>) dst(%dma_wait3A_105 : memref<1000x256xf32, #tpu.memory_space<any>>)
    %dma_wait3A_106 = arith.constant 6000 : i32
    %dma_wait3A_107 = arith.constant 0 : i32
    %dma_wait3A_108 = tpu.memref_slice %arg1[%dma_wait3A_106, %dma_wait3A_107] : memref<10513x256xf32, #tpu.memory_space<any>> -> memref<1000x256xf32, #tpu.memory_space<any>>
    tpu.wait_dma2 semaphore(%arg28 : memref<!tpu.dma_semaphore, #tpu.memory_space<semaphore_mem>>) src(%arg8 : memref<1000x256xf32, #tpu.memory_space<vmem>>) dst(%dma_wait3A_108 : memref<1000x256xf32, #tpu.memory_space<any>>)
    %dma_wait3A_109 = arith.constant 7000 : i32
    %dma_wait3A_110 = arith.constant 0 : i32
    %dma_wait3A_111 = tpu.memref_slice %arg1[%dma_wait3A_109, %dma_wait3A_110] : memref<10513x256xf32, #tpu.memory_space<any>> -> memref<1000x256xf32, #tpu.memory_space<any>>
    tpu.wait_dma2 semaphore(%arg29 : memref<!tpu.dma_semaphore, #tpu.memory_space<semaphore_mem>>) src(%arg9 : memref<1000x256xf32, #tpu.memory_space<vmem>>) dst(%dma_wait3A_111 : memref<1000x256xf32, #tpu.memory_space<any>>)
    %dma_wait3A_112 = arith.constant 8000 : i32
    %dma_wait3A_113 = arith.constant 0 : i32
    %dma_wait3A_114 = tpu.memref_slice %arg1[%dma_wait3A_112, %dma_wait3A_113] : memref<10513x256xf32, #tpu.memory_space<any>> -> memref<1000x256xf32, #tpu.memory_space<any>>
    tpu.wait_dma2 semaphore(%arg30 : memref<!tpu.dma_semaphore, #tpu.memory_space<semaphore_mem>>) src(%arg10 : memref<1000x256xf32, #tpu.memory_space<vmem>>) dst(%dma_wait3A_114 : memref<1000x256xf32, #tpu.memory_space<any>>)
    %dma_wait3A_115 = arith.constant 9000 : i32
    %dma_wait3A_116 = arith.constant 0 : i32
    %dma_wait3A_117 = tpu.memref_slice %arg1[%dma_wait3A_115, %dma_wait3A_116] : memref<10513x256xf32, #tpu.memory_space<any>> -> memref<1000x256xf32, #tpu.memory_space<any>>
    tpu.wait_dma2 semaphore(%arg31 : memref<!tpu.dma_semaphore, #tpu.memory_space<semaphore_mem>>) src(%arg11 : memref<1000x256xf32, #tpu.memory_space<vmem>>) dst(%dma_wait3A_117 : memref<1000x256xf32, #tpu.memory_space<any>>)
    return
  }
}

module attributes {stable_mosaic.version = 14 : i64} {
  func.func @_insert_body(%arg0: i32, %arg1: memref<8x128xf32, #tpu.memory_space<vmem>>, %arg2: memref<1000x256xf32, #tpu.memory_space<vmem>>, %arg3: memref<1000x256xf32, #tpu.memory_space<vmem>>) attributes {dimension_semantics = [#tpu.dimension_semantics<arbitrary>], iteration_bounds = array<i64: 1>, scalar_prefetch = 0 : i64, scratch_operands = 0 : i64, tpu.core_type = #tpu.core_type<tc>, window_params = [{transform_indices = @transform_0, window_bounds = array<i64: 8, 128>}, {transform_indices = @transform_1, window_bounds = array<i64: 1000, 256>}, {transform_indices = @transform_2, window_bounds = array<i64: 1000, 256>}]} {
    %get3A = arith.constant 0 : index
    %get3A_0 = arith.constant 0 : index
    %get3A_1 = vector.load %arg2[%get3A, %get3A_0] : memref<1000x256xf32, #tpu.memory_space<vmem>>, vector<1000x256xf32>
    %swap3A = arith.constant 0 : index
    %swap3A_2 = arith.constant 0 : index
    %swap3A_3 = vector.load %arg3[%swap3A, %swap3A_2] : memref<1000x256xf32, #tpu.memory_space<vmem>>, vector<1000x256xf32>
    tpu.vector_store %arg3[%swap3A, %swap3A_2], %get3A_1 {strides = array<i32>} : memref<1000x256xf32, #tpu.memory_space<vmem>>, vector<1000x256xf32>,
    return
  }
  func.func @transform_0(%arg0: i32) -> (i32, i32) {
    %c0_i32 = arith.constant 0 : i32
    %c0_i32_0 = arith.constant 0 : i32
    %c0_i32_1 = arith.constant 0 : i32
    return %c0_i32, %c0_i32_0 : i32, i32
  }
  func.func @transform_1(%arg0: i32) -> (i32, i32) {
    %c0_i32 = arith.constant 0 : i32
    %c0_i32_0 = arith.constant 0 : i32
    %c0_i32_1 = arith.constant 0 : i32
    return %c0_i32, %c0_i32_0 : i32, i32
  }
  func.func @transform_2(%arg0: i32) -> (i32, i32) {
    %c10_i32 = arith.constant 10 : i32
    %c0_i32 = arith.constant 0 : i32
    %c0_i32_0 = arith.constant 0 : i32
    return %c10_i32, %c0_i32 : i32, i32
  }
}

</mosaic_0001>

<sc_bundles>
// kernel: _run.5.cloned.1.call-start
scs
__scs_entry_jumppad:
0x0: {  	(pc) =	sbr.rel $0x88, $3  }
0x1: {  	(tag) =	ssettag $0x0;
	lr =	simm.s32 $0x1  }
0x2: {  	[smem:$0x3F9E] =	sst lr;
	_ =	strace $0xD0000000  }
0x3: {  	_ = 	snop  }
0x4: {  	_ = 	snop  }
0x5: {  	_ = 	snop  }
0x6: {  	_ = 	snop  }
0x7: {  	_ = 	snop  }
__scs_overlays_trampoline_lowered:
0x8: {  	[smem:$0x3FAD] =	sst s0  }
0x9: {  	[smem:$0x3FAE] =	sst s1  }
0xa: {  	[smem:$0x3FAF] =	sst s2  }
0xb: {  	[smem:$0x3FB0] =	sst s3  }
0xc: {  	[smem:$0x3FB1] =	sst s4  }
0xd: {  	[smem:$0x3FB2] =	sst s5  }
0xe: {  	[smem:$0x3FB3] =	sst s6  }
0xf: {  	[smem:$0x3FB4] =	sst s7  }
0x10: {  	[smem:$0x3FB5] =	sst s8  }
0x11: {  	[smem:$0x3FB6] =	sst s9;
	s0 =	simm.s32 @!p0 $0x0  }
0x12: {  	s1 =	sld [smem:$0x3F9C];
	s0 =	simm.s32 @p0 $0x1  }
0x13: {  	[smem:$0x3FB7] =	sst s0;
	s0 =	simm.s32 @!p1 $0x0  }
0x14: {  	s2 =	sld [smem:$0x3F9B];
	s0 =	simm.s32 @p1 $0x1  }
0x15: {  	[smem:$0x3FB8] =	sst s0;
	s0 =	simm.s32 @!p2 $0x0  }
0x16: {  	s3 =	sld [smem:$0x3FDB];
	s0 =	simm.s32 @p2 $0x1  }
0x17: {  	s4 =	simm.s32 $0x1BF5;
	[smem:$0x3FBA] =	sst s0  }
0x18: {  	s0 =	sld [smem:$0x3F9D];
	_ =	swait.ge [sflag:s4], $0x0  }
0x19: {  	s7 =	sld [smem:$0x3F9E]  }
0x1a: {  	s8 =	sadd.s32 $0xFFFFE003, lr  }
0x1b: {  	s9 =	sadd.s32 $0xFFFFFEF7, lr;
	s5 =	simm.s32 $0xFFFFFFFF;
	p2 =	slt.u32 s8, $0xFFFFF086  }
0x1c: {  	p1 =	slt.u32 s9, $0xF7A;
	s5 =	simm.s32 @!p2 $0x0  }
0x1d: {  	s5 =	simm.s32 @p1 $0x1;
	p0 =	seq.s32 s7, s2  }
0x1e: {  	s7 =	smul.u32 @!p0 $0xF7A, s2;
	p2 =	seq.s32 @!p0 s5, $0x0  }
0x1f: {  	s9 =	smul.u32 $0xF7A, s1;
	s8 =	simm.s32 @!p0 $0x1BF5;
	p2 =	por !p2, p0  }
0x20: {  	[sflag:s8] =	ssyncset.s32 @!p0 $0xFFFFF086;
	s6 =	sadd.s32 @!p0 s3, s7;
	s7 =	simm.s32 @!p0 $0x108  }
0x21: {  	s3 =	sadd.s32 s3, s9;
	s6 =	sadd.s32 @!p0 $0x88, s6;
	s7 =	simm.s32 @p2 $0x1082  }
0x22: {  	[simem:s7], [sflag:s8] =	dma.local @!p0 [hbm:s6], $0xF7A  }
0x23: {  	s9 =	sor.u32 $0xD0000000, s2;
	s6 =	simm.s32 $0x108;
	_ =	swait.ge @!p0 [sflag:s8], $0x0  }
0x24: {  	s3 =	sadd.s32 $0x88, s3;
	s6 =	simm.s32 @!p1 $0x1082;
	[sflag:s4] =	ssyncset.s32 $0xFFFFF086  }
0x25: {  	[simem:s6], [sflag:s4] =	dma.local [hbm:s3], $0xF7A  }
0x26: {  	[smem:$0x3F9E] =	sst s1;
	(tag) =	ssettag s2;
	_ =	strace s9  }
0x27: {  	s1 =	sld [smem:$0x3FAE]  }
0x28: {  	s2 =	sld [smem:$0x3FAF]  }
0x29: {  	s4 =	sld [smem:$0x3FB1]  }
0x2a: {  	p0 =	seq.s32 s5, $0x0;
	s5 =	sld [smem:$0x3FB2]  }
0x2b: {  	s6 =	sld [smem:$0x3FB3]  }
0x2c: {  	s7 =	sld [smem:$0x3FB4]  }
0x2d: {  	s3 =	simm.s32 $0x108;
	s8 =	sld [smem:$0x3FB5]  }
0x2e: {  	s3 =	simm.s32 @!p0 $0x1082;
	s9 =	sld [smem:$0x3FB6]  }
0x2f: {  	lr =	sadd.s32 s0, s3;
	s0 =	sld [smem:$0x3FAD]  }
0x30: {  	s3 =	sld [smem:$0x3FB0]  }
0x31: {  	[smem:$0x3FB9] =	sst s10  }
0x32: {  	s10 =	sld [smem:$0x3FB7];
	_ =	sdelay $0x3  }
0x33: {  	p0 =	seq.s32 s10, $0x1;
	s10 =	sld [smem:$0x3FB9];
	_ =	sdelay $0x3  }
0x34: {  	[smem:$0x3FB9] =	sst s10  }
0x35: {  	s10 =	sld [smem:$0x3FB8];
	_ =	sdelay $0x3  }
0x36: {  	p1 =	seq.s32 s10, $0x1;
	s10 =	sld [smem:$0x3FB9];
	_ =	sdelay $0x3  }
0x37: {  	[smem:$0x3FB9] =	sst s10  }
0x38: {  	s10 =	sld [smem:$0x3FBA]  }
0x39: {  	_ = 	snop;
	(pc) =	sbr.ind lr, $3  }
0x3a: {  	_ = 	snop  }
0x3b: {  	_ = 	snop  }
0x3c: {  	p2 =	seq.s32 s10, $0x1;
	s10 =	sld [smem:$0x3FB9]  }
0x3d: {  	_ =	shalt  }
0x3e: {  	_ =	shalt  }
0x3f: {  	_ =	shalt  }
0x40: {  	_ =	shalt  }
0x41: {  	_ =	shalt  }
0x42: {  	_ =	shalt  }
0x43: {  	_ =	shalt  }
0x44: {  	_ =	shalt  }
0x45: {  	_ =	shalt  }
0x46: {  	_ =	shalt  }
0x47: {  	_ =	shalt  }
0x48: {  	_ =	shalt  }
0x49: {  	_ =	shalt  }
0x4a: {  	_ =	shalt  }
0x4b: {  	_ =	shalt  }
0x4c: {  	_ =	shalt  }
0x4d: {  	_ =	shalt  }
0x4e: {  	_ =	shalt  }
0x4f: {  	_ =	shalt  }
0x50: {  	_ =	shalt  }
0x51: {  	_ =	shalt  }
0x52: {  	_ =	shalt  }
0x53: {  	_ =	shalt  }
0x54: {  	_ =	shalt  }
0x55: {  	_ =	shalt  }
0x56: {  	_ =	shalt  }
0x57: {  	_ =	shalt  }
0x58: {  	_ =	shalt  }
0x59: {  	_ =	shalt  }
0x5a: {  	_ =	shalt  }
0x5b: {  	_ =	shalt  }
0x5c: {  	_ =	shalt  }
0x5d: {  	_ =	shalt  }
0x5e: {  	_ =	shalt  }
0x5f: {  	_ =	shalt  }
0x60: {  	_ =	shalt  }
0x61: {  	_ =	shalt  }
0x62: {  	_ =	shalt  }
0x63: {  	_ =	shalt  }
0x64: {  	_ =	shalt  }
0x65: {  	_ =	shalt  }
0x66: {  	_ =	shalt  }
0x67: {  	_ =	shalt  }
0x68: {  	_ =	shalt  }
0x69: {  	_ =	shalt  }
0x6a: {  	_ =	shalt  }
0x6b: {  	_ =	shalt  }
0x6c: {  	_ =	shalt  }
0x6d: {  	_ =	shalt  }
0x6e: {  	_ =	shalt  }
0x6f: {  	_ =	shalt  }
0x70: {  	_ =	shalt  }
0x71: {  	_ =	shalt  }
0x72: {  	_ =	shalt  }
0x73: {  	_ =	shalt  }
0x74: {  	_ =	shalt  }
0x75: {  	_ =	shalt  }
0x76: {  	_ =	shalt  }
0x77: {  	_ =	shalt  }
0x78: {  	_ =	shalt  }
0x79: {  	_ =	shalt  }
0x7a: {  	_ =	shalt  }
0x7b: {  	_ =	shalt  }
0x7c: {  	_ =	shalt  }
0x7d: {  	_ =	shalt  }
0x7e: {  	_ =	shalt  }
0x7f: {  	_ =	shalt  }
0x80: {  	_ =	shalt  }
0x81: {  	_ =	shalt  }
0x82: {  	_ =	shalt  }
0x83: {  	_ =	shalt  }
0x84: {  	_ =	shalt  }
0x85: {  	_ =	shalt  }
0x86: {  	_ =	shalt  }
0x87: {  	_ =	shalt  }
.Lfunc_end0:
.L_simem_size_0:
called_computation_lowered:
.L_overlay_start_0:
0x88: {  	s2 =	sld [smem:$0x3FD9]  }
0x89: {  	s3 =	sld [smem:$0x3FFE];
	_ =	sdelay $0x1  }
0x8a: {  	s1 =	srdreg.scid  }
0x8b: {  	s0 =	sand.u32 $0x1, s1  }
0x8c: {  	s17 =	sshll.u32 s0, $0xA;
	s2 =	sadd.s32 s3, s2  }
0x8d: {  	s2 =	sadd.s32 s2, s17  }
0x8e: {  	[smem:$0x3FC5] =	sst s2  }
0x8f: {  	_ = 	snop  }
0x90: {  	s2 =	sld [smem:$0x3FC9]  }
0x91: {  	s18 =	sld [smem:$0x3FC8]  }
0x92: {  	s4 =	sld [smem:$0x3FC7];
	(tm) =	ssettm $0x1  }
0x93: {  	s5 =	sld [smem:$0x3FFB];
	_ =	sdelay $0x3  }
0x94: {  	_ =	strace s5  }
0x95: {  	s5 =	sld [smem:$0x3FFC];
	_ =	sdelay $0x3  }
0x96: {  	_ =	strace s5  }
0x97: {  	s5 =	sld [smem:$0x3FFD];
	_ =	sdelay $0x3  }
0x98: {  	_ =	strace s5  }
0x99: {  	_ =	strace $0x8FFFFFFF  }
0x9a: {  	s19 =	sld [smem:$0x3FDB];
	_ =	sdelay $0x1  }
0x9b: {  	s6 =	simm.s32 $_scs_section_size  }
0x9c: {  	s7 =	simm.s32 $_size__tile_overlayer_lowered;
	s8 =	simm.s32 $_tile_overlayer_lowered  }
0x9d: {  	s22 =	simm.s32 $0x1BFF;
	s21 =	sshll.u32 s8, $0x1;
	s5 =	sadd.s32 s6, s19  }
0x9e: {  	s9 =	simm.s32 $0x0;
	s20 =	sshll.u32 s7, $0x1;
	s7 =	sadd.s32 s21, s5  }
0x9f: {  	[timem:s9], [sflag:s22] =	dma.local [hbm:s7], s20  }
0xa0: {  	_ =	swait.ge [sflag:s22], s20  }
0xa1: {  	s6 =	ssub.s32 $0x0, s20;
	[sflag:s22] =	ssyncset.done $0x0  }
0xa2: {  	[sflag:s22] =	ssyncadd.s32 s6;
	_ =	sdelay $0x1  }
0xa3: {  	s23 =	simm.s32 $0x1B8B  }
0xa4: {  	_ =	swait.ge [sflag:s23], $0x1  }
0xa5: {  	[sflag:s23] =	ssyncset.done $0x0  }
0xa6: {  	s25 =	simm.s32 $0x1B8E;
	s24 =	sld [smem:$0x3FFE];
	[sflag:s23] =	ssyncadd.s32 $0xFFFFFFFF  }
0xa7: {  	s26 =	simm.s32 $execute0_lowered;
	[smem:$0x3FD2] =	sst s25  }
0xa8: {  	s7 =	sshll.u32 s26, $0x1;
	_ =	strace $0x80000046;
	[dreg:$0x1] =	wrdreg $0xFFFFFFFF  }
0xa9: {  	s28 =	simm.s32 $_size_execute0_lowered;
	s5 =	sadd.s32 s5, s7;
	[dreg:$0x0] =	wrdreg $0x0  }
0xaa: {  	s7 =	sshll.u32 s28, $0x1;
	[dreg:$0x2] =	wrdreg s5  }
0xab: {  	[dreg:$0x3] =	wrdreg s7  }
0xac: {  	[dreg:$0x4] =	wrdreg $0xC0  }
0xad: {  	_ =	task [dreg:s9], $0x5FFFF  }
0xae: {  	[dreg:$0x1] =	wrdreg $0xFFFFFFFF  }
0xaf: {  	[dreg:$0x0] =	wrdreg $0x60  }
0xb0: {  	[dreg:$0x2] =	wrdreg s2  }
0xb1: {  	[dreg:$0x3] =	wrdreg s18  }
0xb2: {  	[dreg:$0x4] =	wrdreg s4  }
0xb3: {  	[dreg:$0x5] =	wrdreg s24  }
0xb4: {  	[dreg:$0x6] =	wrdreg $0x9  }
0xb5: {  	_ =	task.clear_ibuf [dreg:s9], $0x7FFFF;
	_ =	strace $0x90000046  }
0xb6: {  	s29 =	simm.s32 $0x9;
	_ =	strace $0x80000048  }
0xb7: {  	_ =	swait.ge [sflag:s29], $0x1  }
0xb8: {  	[sflag:s29] =	ssyncadd.s32 $0xFFFFFFFF  }
0xb9: {  	_ =	strace $0x90000048  }
0xba: {  	_ =	sfence  }
0xbb: {  	s30 =	sld [smem:$0x0];
	_ =	sdelay $0x2  }
0xbc: {  	s31 =	sshll.u32 s1, $0xD;
	s1 =	sshrl.u32 s1, $0x2  }
0xbd: {  	s3 =	sand.u32 $0x4000, s31;
	s1 =	sadd.s32 s1, s30  }
0xbe: {  	s0 =	sor.u32 s3, s0;
	s1 =	sshll.u32 s1, $0x11  }
0xbf: {  	s0 =	sor.u32 s1, s0  }
0xc0: {  	s0 =	sadd.s32 $0x8F2B, s0  }
0xc1: {  	[sflag:s0] =	ssyncadd.remote.s32 $0x1  }
0xc2: {  	_ =	sfence.sel $0xFFFF  }
0xc3: {  	[dreg:$0x0] =	wrdreg $0xFFFFFFFF;
	(pc) =	sbr.abs _section_cstart, $3  }
0xc4: {  	[dreg:$0x1] =	wrdreg $0xFFFFFFFF  }
0xc5: {  	_ =	task.clear_ibuf [dreg:s9], $0x2FFFF;
	_ =	strace $0x9FFFFFFF  }
0xc6: {  	(tm) =	ssettm $0x7FFFFFFF  }
0xc7: {  	_ =	shalt  }
tec
execute0_lowered:
.L_overlay_start_1:
0x0: {  	(tag) =	ssettag $0x1  }
0x1: {  	s1 =	rddreg [dreg:$0x0]  }
0x2: {  	s4 =	rddreg [dreg:$0x1]  }
0x3: {  	s5 =	rddreg [dreg:$0x2]  }
0x4: {  	s6 =	rddreg [dreg:$0x3];
	s3 =	srdreg.scid  }
0x5: {  	s0 =	rddreg [dreg:$0x4];
	s2 =	stileid.u32;
	s11 =	simm.s32 $0x900  }
0x6: {  	s12 =	simm.s32 $0x1100;
	s13 =	simm.s32 $0x1900;
	s14 =	simm.s32 $0x2100  }
0x7: {  	s15 =	simm.s32 $0x2900;
	s16 =	simm.s32 $0x1;
	s17 =	simm.s32 $0x2  }
0x8: {  	s18 =	simm.s32 $0x0;
	s7 =	sand.u32 $0x1, s3;
	s3 =	simm.s32 $0x0  }
0x9: {  	s8 =	sshll.u32 s2, $0x5;
	s9 =	sshll.u32 s7, $0x4;
	s7 =	ssub.s32 $0x2, s7  }
0xa: {  	[smem:$0x7FF] =	sst s3;
	s8 =	sor.u32 s9, s8;
	s10 =	sshrl.u32 s7, $0x1  }
0xb: {  	_ =	strace $0x80000047;
	s9 =	sshll.u32 s8, $0x5;
	s7 =	ssub.s32 s7, s10  }
0xc: {  	v2 =	vlaneseq.u32;
	s8 =	sshrl.u32 s8, $0x3;
	s10 =	simm.s32 $0x100;
	s6 =	sadd.s32 s9, s6  }
0xd: {  	vm0 =	vmmov $0xffff;
	v1 =	vshrl.u32 v2, $0x3;
	s4 =	sadd.s32 s4, s8;
	s5 =	sadd.s32 s5, s8;
	s7 =	smax.u32 s7, $0x1  }
0xe: {  	v0 =	vand.u32 $0x7, v2;
	v2 =	vor.u32 $0x8, v2;
	v1 =	vmul.u32 $0x8, v1;
	s8 =	simm.s32 $0x3;
	s9 =	simm.s32 $0x80;
	s6 =	sadd.s32 $0x800, s6  }
.LBB2_1:
0xf: {  	[tilespmem:s3], [sflag:$0x3] =	stream.linear.gather [hbm4b:s4+s3], $0x18, $0x38;
	[tilespmem:$0x3100] =	vst v63  }
0x10: {  	_ =	swait.ge [sflag:s8], $0x18  }
0x11: {  	[sflag:s8] =	ssyncset.done $0x0  }
0x12: {  	[sflag:s8] =	ssyncadd.s32 $0xFFFFFFE8  }
0x13: {  	[tilespmem:s9], [sflag:$0x3] =	stream.linear.gather [hbm4b:s5+s3], $0x18, $0x38;
	[tilespmem:$0x3100] =	vst v63  }
0x14: {  	_ =	swait.ge [sflag:s8], $0x18  }
0x15: {  	[sflag:s8] =	ssyncset.done $0x0  }
0x16: {  	[sflag:s8] =	ssyncadd.s32 $0xFFFFFFE8  }
0x17: {  	v3 =	vld [tilespmem:$0x0];
	_ =	sdelay $0x4  }
0x18: {  	v4 =	vshll.u32 v3, $0x1  }
0x19: {  	v3 =	vand.u32 $0x7, v3;
	v4 =	vand.u32 $0xFFFFFFF0, v4  }
0x1a: {  	v3 =	vor.u32 v3, v4  }
0x1b: {  	v4 =	vperm.xlane v3, v0;
	_ =	sdelay $0x1  }
0x1c: {  	v3 =	vperm.xlane v3, v2;
	v4 =	vadd.s32 v1, v4;
	_ =	sdelay $0x1  }
0x1d: {  	v3 =	vadd.s32 v1, v3;
	_ =	sdelay $0x2  }
0x1e: {  	[tilespmem:s10], [sflag:$0x1] =	stream.indirect_vreg.gather [hbm4b:s1+s3], $0x80, v4, vm0, $0xb8;
	[tilespmem:$0x3100] =	vst v63  }
0x1f: {  	_ = 	snop  }
0x20: {  	[tilespmem:s11], [sflag:$0x1] =	stream.indirect_vreg.gather [hbm4b:s1+s3], $0x80, v3, vm0, $0xb8;
	[tilespmem:$0x3100] =	vst v63  }
0x21: {  	v3 =	vld.msk [tilespmem:$0x10], $0xff;
	_ =	sdelay $0x4  }
0x22: {  	v4 =	vshll.u32 v3, $0x1  }
0x23: {  	v3 =	vand.u32 $0x7, v3;
	v4 =	vand.u32 $0xFFFFFFF0, v4  }
0x24: {  	v3 =	vor.u32 v3, v4  }
0x25: {  	v3 =	vperm.xlane v3, v0;
	_ =	sdelay $0x1  }
0x26: {  	v3 =	vadd.s32 v1, v3;
	_ =	sdelay $0x4  }
0x27: {  	[tilespmem:s12], [sflag:$0x1] =	stream.indirect_vreg.gather [hbm4b:s1+s3], $0x80, v3, vm0, $0xb8;
	[tilespmem:$0x3100] =	vst v63  }
0x28: {  	v3 =	vld [tilespmem:$0x80];
	_ =	sdelay $0x4  }
0x29: {  	v4 =	vshll.u32 v3, $0x1  }
0x2a: {  	v3 =	vand.u32 $0x7, v3;
	v4 =	vand.u32 $0xFFFFFFF0, v4  }
0x2b: {  	v3 =	vor.u32 v3, v4  }
0x2c: {  	v4 =	vperm.xlane v3, v0;
	_ =	sdelay $0x1  }
0x2d: {  	v3 =	vperm.xlane v3, v2;
	v4 =	vadd.s32 v1, v4;
	_ =	sdelay $0x1  }
0x2e: {  	v3 =	vadd.s32 v1, v3;
	_ =	sdelay $0x2  }
0x2f: {  	[tilespmem:s13], [sflag:$0x2] =	stream.indirect_vreg.gather [hbm4b:s1+s3], $0x80, v4, vm0, $0xb8;
	[tilespmem:$0x3100] =	vst v63  }
0x30: {  	_ = 	snop  }
0x31: {  	[tilespmem:s14], [sflag:$0x2] =	stream.indirect_vreg.gather [hbm4b:s1+s3], $0x80, v3, vm0, $0xb8;
	[tilespmem:$0x3100] =	vst v63  }
0x32: {  	v3 =	vld.msk [tilespmem:$0x90], $0xff;
	_ =	sdelay $0x4  }
0x33: {  	v4 =	vshll.u32 v3, $0x1  }
0x34: {  	v3 =	vand.u32 $0x7, v3;
	v4 =	vand.u32 $0xFFFFFFF0, v4  }
0x35: {  	v3 =	vor.u32 v3, v4  }
0x36: {  	v3 =	vperm.xlane v3, v0;
	_ =	sdelay $0x1  }
0x37: {  	v3 =	vadd.s32 v1, v3;
	_ =	sdelay $0x4  }
0x38: {  	[tilespmem:s15], [sflag:$0x2] =	stream.indirect_vreg.gather [hbm4b:s1+s3], $0x80, v3, vm0, $0xb8;
	[tilespmem:$0x3100] =	vst v63  }
0x39: {  	_ =	swait.ge [sflag:s16], $0x1800  }
0x3a: {  	[sflag:s16] =	ssyncset.done $0x0  }
0x3b: {  	[sflag:s16] =	ssyncadd.s32 $0xFFFFE800  }
0x3c: {  	_ =	swait.ge [sflag:s17], $0x1800  }
0x3d: {  	s19 =	sand.u32 $0x1800, s3;
	s20 =	sand.u32 $0x380, s3;
	[sflag:s17] =	ssyncset.done $0x0  }
0x3e: {  	s19 =	sor.u32 s20, s19;
	[sflag:s17] =	ssyncadd.s32 $0xFFFFE800  }
0x3f: {  	v10 =	vld [tilespmem:s19+$0x1900]  }
0x40: {  	v11 =	vld [tilespmem:s19+$0x1910]  }
0x41: {  	v12 =	vld [tilespmem:s19+$0x1920]  }
0x42: {  	v13 =	vld [tilespmem:s19+$0x1930]  }
0x43: {  	v14 =	vld [tilespmem:s19+$0x1940]  }
0x44: {  	v15 =	vld [tilespmem:s19+$0x1950]  }
0x45: {  	v16 =	vld [tilespmem:s19+$0x1960]  }
0x46: {  	v18 =	vld [tilespmem:s19+$0x1970]  }
0x47: {  	v19 =	vld [tilespmem:s19+$0x1D00]  }
0x48: {  	v9 =	vld [tilespmem:s19+$0x1D10]  }
0x49: {  	v8 =	vld [tilespmem:s19+$0x1D20]  }
0x4a: {  	v7 =	vld [tilespmem:s19+$0x1D30]  }
0x4b: {  	v6 =	vld [tilespmem:s19+$0x1D40]  }
0x4c: {  	v5 =	vld [tilespmem:s19+$0x1D50]  }
0x4d: {  	v4 =	vld [tilespmem:s19+$0x1D60]  }
0x4e: {  	v3 =	vld [tilespmem:s19+$0x1D70]  }
0x4f: {  	v17 =	vld [tilespmem:s19+$0x100]  }
0x50: {  	v20 =	vld [tilespmem:s19+$0x110]  }
0x51: {  	v21 =	vld [tilespmem:s19+$0x120]  }
0x52: {  	v22 =	vld [tilespmem:s19+$0x130]  }
0x53: {  	v23 =	vld [tilespmem:s19+$0x140]  }
0x54: {  	v10 =	vadd.f32 v10, v17;
	v17 =	vld [tilespmem:s19+$0x150]  }
0x55: {  	v11 =	vadd.f32 v11, v20;
	v20 =	vld [tilespmem:s19+$0x160]  }
0x56: {  	v63 =	vld [tilespmem:s19+$0x170];
	v12 =	vadd.f32 v12, v21;
	v10 =	vmul.f32 $5.000000000e-01, v10  }
0x57: {  	v24 =	vld [tilespmem:s19+$0x500];
	v22 =	vadd.f32 v13, v22;
	v11 =	vmul.f32 $5.000000000e-01, v11  }
0x58: {  	v14 =	vadd.f32 v14, v23;
	v13 =	vld [tilespmem:s19+$0x510];
	[tilespmem:s19+$0x100] =	vst v10;
	v10 =	vmul.f32 $5.000000000e-01, v12  }
0x59: {  	[tilespmem:s19+$0x110] =	vst v11;
	v11 =	vmul.f32 $5.000000000e-01, v22;
	v12 =	vld [tilespmem:s19+$0x520];
	v15 =	vadd.f32 v15, v17  }
0x5a: {  	v14 =	vmul.f32 $5.000000000e-01, v14;
	v16 =	vadd.f32 v16, v20;
	[tilespmem:s19+$0x120] =	vst v10;
	v10 =	vld [tilespmem:s19+$0x530]  }
0x5b: {  	v18 =	vadd.f32 v18, v63;
	[tilespmem:s19+$0x130] =	vst v11;
	v11 =	vld [tilespmem:s19+$0x540];
	v17 =	vmul.f32 $5.000000000e-01, v15  }
0x5c: {  	s21 =	simm.s32 $0x100;
	s20 =	simm.s32 $0x80;
	[tilespmem:s19+$0x140] =	vst v14;
	v14 =	vld [tilespmem:s19+$0x550];
	v15 =	vmul.f32 $5.000000000e-01, v16;
	v16 =	vadd.f32 v19, v24  }
.LBB2_2:
0x5d: {  	s22 =	sand.u32 $0x1800, s21;
	s23 =	sand.u32 $0x380, s20;
	p0 =	sne.s32 s21, $0x1700;
	[tilespmem:s19+$0x150] =	vst v17;
	v17 =	vmul.f32 $5.000000000e-01, v18;
	v9 =	vadd.f32 v9, v13;
	v13 =	vld [tilespmem:s19+$0x560]  }
0x5e: {  	s22 =	sor.u32 s23, s22;
	[tilespmem:s19+$0x160] =	vst v15;
	v15 =	vmul.f32 $5.000000000e-01, v16;
	v8 =	vadd.f32 v8, v12;
	v12 =	vld [tilespmem:s19+$0x570]  }
0x5f: {  	v16 =	vld [tilespmem:s22+$0x1900];
	[tilespmem:s19+$0x170] =	vst v17;
	v9 =	vmul.f32 $5.000000000e-01, v9;
	v7 =	vadd.f32 v7, v10  }
0x60: {  	v10 =	vld [tilespmem:s22+$0x1910];
	[tilespmem:s19+$0x500] =	vst v15;
	v8 =	vmul.f32 $5.000000000e-01, v8;
	v6 =	vadd.f32 v6, v11  }
0x61: {  	v11 =	vld [tilespmem:s22+$0x1920];
	[tilespmem:s19+$0x510] =	vst v9;
	v7 =	vmul.f32 $5.000000000e-01, v7;
	v5 =	vadd.f32 v5, v14  }
0x62: {  	v14 =	vld [tilespmem:s22+$0x1930];
	[tilespmem:s19+$0x520] =	vst v8;
	v6 =	vmul.f32 $5.000000000e-01, v6;
	v4 =	vadd.f32 v4, v13  }
0x63: {  	v13 =	vld [tilespmem:s22+$0x1940];
	[tilespmem:s19+$0x530] =	vst v7;
	v5 =	vmul.f32 $5.000000000e-01, v5;
	v3 =	vadd.f32 v3, v12  }
0x64: {  	v12 =	vld [tilespmem:s22+$0x1950];
	[tilespmem:s19+$0x540] =	vst v6;
	v4 =	vmul.f32 $5.000000000e-01, v4  }
0x65: {  	v15 =	vld [tilespmem:s22+$0x1960];
	[tilespmem:s19+$0x550] =	vst v5;
	v3 =	vmul.f32 $5.000000000e-01, v3  }
0x66: {  	v18 =	vld [tilespmem:s22+$0x1970];
	[tilespmem:s19+$0x560] =	vst v4  }
0x67: {  	v19 =	vld [tilespmem:s22+$0x1D00];
	[tilespmem:s19+$0x570] =	vst v3;
	s19 =	smov.u32 s22  }
0x68: {  	v9 =	vld [tilespmem:s19+$0x1D10]  }
0x69: {  	v8 =	vld [tilespmem:s19+$0x1D20]  }
0x6a: {  	v7 =	vld [tilespmem:s19+$0x1D30]  }
0x6b: {  	v6 =	vld [tilespmem:s19+$0x1D40]  }
0x6c: {  	v5 =	vld [tilespmem:s19+$0x1D50]  }
0x6d: {  	v4 =	vld [tilespmem:s19+$0x1D60]  }
0x6e: {  	v3 =	vld [tilespmem:s19+$0x1D70]  }
0x6f: {  	v17 =	vld [tilespmem:s19+$0x100]  }
0x70: {  	v20 =	vld [tilespmem:s19+$0x110]  }
0x71: {  	v21 =	vld [tilespmem:s19+$0x120]  }
0x72: {  	v22 =	vld [tilespmem:s19+$0x130]  }
0x73: {  	v23 =	vld [tilespmem:s19+$0x140]  }
0x74: {  	v16 =	vadd.f32 v16, v17;
	v17 =	vld [tilespmem:s19+$0x150]  }
0x75: {  	v10 =	vadd.f32 v10, v20;
	v20 =	vld [tilespmem:s19+$0x160]  }
0x76: {  	v16 =	vmul.f32 $5.000000000e-01, v16;
	v11 =	vadd.f32 v11, v21;
	v21 =	vld [tilespmem:s19+$0x170]  }
0x77: {  	v10 =	vmul.f32 $5.000000000e-01, v10;
	v14 =	vadd.f32 v14, v22;
	v22 =	vld [tilespmem:s19+$0x500]  }
.Ltmp0:
0x78: {  	[tilespmem:s19+$0x100] =	vst v16;
	v11 =	vmul.f32 $5.000000000e-01, v11;
	v16 =	vadd.f32 v13, v23;
	v13 =	vld [tilespmem:s19+$0x510];
	(pc) =	sbr.rel @p0 .LBB2_2-.Ltmp0, $4  }
0x79: {  	[tilespmem:s19+$0x110] =	vst v10;
	v14 =	vmul.f32 $5.000000000e-01, v14;
	v17 =	vadd.f32 v12, v17;
	v12 =	vld [tilespmem:s19+$0x520]  }
0x7a: {  	[tilespmem:s19+$0x120] =	vst v11;
	v16 =	vmul.f32 $5.000000000e-01, v16;
	v15 =	vadd.f32 v15, v20;
	v10 =	vld [tilespmem:s19+$0x530]  }
0x7b: {  	[tilespmem:s19+$0x130] =	vst v14;
	v17 =	vmul.f32 $5.000000000e-01, v17;
	v18 =	vadd.f32 v18, v21;
	v11 =	vld [tilespmem:s19+$0x540]  }
0x7c: {  	s20 =	sadd.s32 $0x80, s20;
	s21 =	sadd.s32 $0x100, s21;
	[tilespmem:s19+$0x140] =	vst v16;
	v15 =	vmul.f32 $5.000000000e-01, v15;
	v16 =	vadd.f32 v19, v22;
	v14 =	vld [tilespmem:s19+$0x550]  }
0x7d: {  	[tilespmem:s19+$0x150] =	vst v17;
	v60 =	vmul.f32 $5.000000000e-01, v18;
	v9 =	vadd.f32 v9, v13;
	v61 =	vld [tilespmem:s19+$0x560]  }
0x7e: {  	v63 =	vld [tilespmem:s19+$0x570];
	[tilespmem:s19+$0x160] =	vst v15;
	v62 =	vmul.f32 $5.000000000e-01, v16;
	v8 =	vadd.f32 v8, v12  }
0x7f: {  	[tilespmem:s19+$0x170] =	vst v60;
	v9 =	vmul.f32 $5.000000000e-01, v9;
	v7 =	vadd.f32 v7, v10  }
0x80: {  	[tilespmem:s19+$0x500] =	vst v62;
	v8 =	vmul.f32 $5.000000000e-01, v8;
	v6 =	vadd.f32 v6, v11  }
0x81: {  	[tilespmem:s19+$0x510] =	vst v9;
	v7 =	vmul.f32 $5.000000000e-01, v7;
	v5 =	vadd.f32 v5, v14  }
0x82: {  	[tilespmem:s19+$0x520] =	vst v8;
	v6 =	vmul.f32 $5.000000000e-01, v6;
	v4 =	vadd.f32 v4, v61  }
0x83: {  	v3 =	vadd.f32 v3, v63;
	[tilespmem:s19+$0x530] =	vst v7;
	v5 =	vmul.f32 $5.000000000e-01, v5  }
0x84: {  	[tilespmem:s19+$0x540] =	vst v6;
	v4 =	vmul.f32 $5.000000000e-01, v4  }
0x85: {  	s18 =	sadd.s32 $0x1, s18;
	v3 =	vmul.f32 $5.000000000e-01, v3;
	[tilespmem:s19+$0x550] =	vst v5  }
0x86: {  	p0 =	sne.s32 s18, s7;
	[tilespmem:s19+$0x560] =	vst v4  }
.Ltmp1:
0x87: {  	[tilespmem:s19+$0x570] =	vst v3;
	(pc) =	sbr.rel @p0 .LBB2_1-.Ltmp1, $4  }
0x88: {  	[hbm4b:s6+s3] =	stream.linear.scatter [tilespmem:s10], [sflag:$0x3], $0x1800, $0x38;
	[tilespmem:$0x3100] =	vst v63  }
0x89: {  	_ =	swait.ge [sflag:s8], $0x1800  }
0x8a: {  	[sflag:s8] =	ssyncset.done $0x0  }
0x8b: {  	[sflag:s8] =	ssyncadd.s32 $0xFFFFE800  }
0x8c: {  	_ =	sfence.sel $0x180000  }
0x8d: {  	[bflag:$0x0] =	sbarrier.arrive $0xFFFF  }
0x8e: {  	p0 =	sne.s32 s2, $0x0;
	_ =	strace $0x90000047  }
0x8f: {  	s0 =	sadd.s32 @!p0 $0x100000, s0;
	[bflag:$0x2] =	sbarrier.arrive $0xFFFF  }
0x90: {  	[sflag:s0] =	ssyncadd.tile.s32 @!p0 $0x1;
	_ =	shalt  }
.Lfunc_end2:
_tile_overlayer_lowered:
.L_overlay_start_2:
0x91: {  	(tag) =	ssettag $0x2  }
0x92: {  	s0 =	rddreg [dreg:$0x0];
	s2 =	stileid.u32  }
0x93: {  	s1 =	rddreg [dreg:$0x1];
	p0 =	sne.s32 s2, $0x0  }
0x94: {  	s3 =	rddreg [dreg:$0x2];
	[bflag:$0x3] =	sbarrier.arrive $0xFFFF;
	s2 =	simm.s32 @!p0 $0x1C03  }
0x95: {  	[timem:s3], [sflag:s2] =	dma.local @!p0 [hbm:s0], s1  }
0x96: {  	s0 =	simm.s32 @!p0 $0x3  }
0x97: {  	_ =	swait.ge @!p0 [sflag:s0], s1  }
0x98: {  	s1 =	ssub.s32 @!p0 $0x0, s1;
	[sflag:s0] =	ssyncset.done @!p0 $0x0  }
0x99: {  	[sflag:s0] =	ssyncadd.s32 @!p0 s1  }
0x9a: {  	[bflag:$0x3] =	sbarrier.arrive $0xFFFF  }
0x9b: {  	_ =	shalt  }

</sc_bundles>
